<compile_context>
chip_gen: v7x
topology: tpu7x:2x2x1
jax: 0.10.2.dev20260603
libtpu: 0.0.44.dev20260713+nightly
codegen_flags: <defaults>
</compile_context>

<pallas_src>
import jax
import jax.numpy as jnp
from jax import lax
from jax.experimental import pallas as pl
from jax.experimental.pallas import tpu as pltpu
from jax.experimental.pallas import tpu_sc as plsc

_LANES = 16
_SC_WORKERS = 32


def _full_sc_pipe_kernel(flat_hbm, row_hbm, col_hbm, r_hbm, c_hbm, out_hbm,
                         idx_r, idx_c, pos_v, rows_c,
                         in0, in1, ot0, ot1,
                         sem_r, sem_c, si0, si1, so0, so1):
    chunk = pos_v.shape[0]
    d = pos_v.shape[1]
    seq = chunk * _SC_WORKERS
    nb = flat_hbm.shape[0] // seq
    wid = lax.axis_index("s") * 2 + lax.axis_index("c")
    sbase = wid * chunk

    pltpu.sync_copy(r_hbm.at[pl.ds(sbase, chunk)], idx_r)
    pltpu.sync_copy(c_hbm.at[pl.ds(sbase, chunk)], idx_c)
    cp_r = pltpu.async_copy(row_hbm.at[idx_r], pos_v, sem_r)
    cp_c = pltpu.async_copy(col_hbm.at[idx_c], rows_c, sem_c)
    cp_r.wait()
    cp_c.wait()

    def sum_tables(i, carry):
        for j in range(d // _LANES):
            sl = pl.ds(j * _LANES, _LANES)
            pos_v[i, sl] = pos_v[i, sl] + rows_c[i, sl]
        return carry

    lax.fori_loop(0, chunk, sum_tables, 0)

    ins = (in0, in1)
    ots = (ot0, ot1)
    sis = (si0, si1)
    sos = (so0, so1)

    pltpu.async_copy(flat_hbm.at[pl.ds(sbase, chunk)], in0, si0)
    pltpu.async_copy(flat_hbm.at[pl.ds(seq + sbase, chunk)], in1, si1)

    def outer(g, carry):
        for k in range(2):
            b = 2 * g + k
            rb = b * seq + sbase
            ib, ob, si, so = ins[k], ots[k], sis[k], sos[k]
            pltpu.make_async_copy(flat_hbm.at[pl.ds(rb, chunk)], ib, si).wait()
            @pl.when(b >= 2)
            def _():
                pltpu.make_async_copy(
                    ob, out_hbm.at[pl.ds(rb, chunk)], so).wait()

            def add_pos(i, carry2):
                for j in range(d // _LANES):
                    sl = pl.ds(j * _LANES, _LANES)
                    ob[i, sl] = ib[i, sl] + pos_v[i, sl]
                return carry2

            lax.fori_loop(0, chunk, add_pos, 0)
            pltpu.async_copy(ob, out_hbm.at[pl.ds(rb, chunk)], so)

            @pl.when(b + 2 < nb)
            def _():
                rb2 = (b + 2) * seq + sbase
                pltpu.async_copy(flat_hbm.at[pl.ds(rb2, chunk)], ib, si)
        return carry

    lax.fori_loop(0, nb // 2, outer, 0)
    pltpu.make_async_copy(ot0, out_hbm.at[pl.ds(sbase, chunk)], so0).wait()
    pltpu.make_async_copy(ot1, out_hbm.at[pl.ds(sbase, chunk)], so1).wait()


def sc_pipe(output, row_table, col_table, r, c):
    B, S, D = output.shape
    chunk = S // _SC_WORKERS
    flat = output.reshape(B * S, D)
    res = pl.kernel(
        _full_sc_pipe_kernel,
        out_type=jax.ShapeDtypeStruct((B * S, D), jnp.float32),
        mesh=plsc.VectorSubcoreMesh(core_axis_name="c", subcore_axis_name="s"),
        scratch_types=[
            pltpu.VMEM((chunk,), jnp.int32),
            pltpu.VMEM((chunk,), jnp.int32),
            pltpu.VMEM((chunk, D), jnp.float32),
            pltpu.VMEM((chunk, D), jnp.float32),
            pltpu.VMEM((chunk, D), jnp.float32),
            pltpu.VMEM((chunk, D), jnp.float32),
            pltpu.VMEM((chunk, D), jnp.float32),
            pltpu.VMEM((chunk, D), jnp.float32),
            pltpu.SemaphoreType.DMA,
            pltpu.SemaphoreType.DMA,
            pltpu.SemaphoreType.DMA,
            pltpu.SemaphoreType.DMA,
            pltpu.SemaphoreType.DMA,
            pltpu.SemaphoreType.DMA,
        ],
    )(flat, row_table, col_table, r, c)
    return res.reshape(B, S, D)


def kernel(output, row_table, col_table, r, c):
    return sc_pipe(output, row_table, col_table, r, c)

# --- scband reference (transcript-rebuilt; emitter-appended) ---
"""Pipeline reference for scband-positional-embedding2-d-1752346656917 (READ-ONLY COPY).

The authoritative reference and input builder live on the scoring server;
editing this copy changes nothing except your own understanding.
"""

import jax, jax.numpy as jnp
import numpy as np

H = 32
W = 32
B = 64
D = 384


def setup_inputs(seed: int = 0) -> dict:
    key = jax.random.key(seed)
    k1, k2, k3 = jax.random.split(key, 3)
    # 'output' is the tensor passed to the forward hook: (batch, seq_len=H*W, hidden_dim)
    output = jax.random.normal(k1, (B, H * W, D), dtype=jnp.float32)
    # learned parameters sized per init_kwargs (nn.Embedding weights)
    row_table = jax.random.normal(k2, (H, D), dtype=jnp.float32) * 0.02
    col_table = jax.random.normal(k3, (W, D), dtype=jnp.float32) * 0.02
    # r, c are the index tensors installed via reset_parameters(r, c):
    # row-first flattening of the HxW grid
    r = jnp.repeat(jnp.arange(H, dtype=jnp.int32), W)  # [H*W]
    c = jnp.tile(jnp.arange(W, dtype=jnp.int32), H)    # [H*W]
    return {"output": output, "row_table": row_table, "col_table": col_table, "r": r, "c": c}


def reference(output, row_table, col_table, r, c):
    # row_embed(self.r) and col_embed(self.c) -> embedding gathers
    row_pos = jnp.take(row_table, r, axis=0)  # [H*W, D]
    col_pos = jnp.take(col_table, c, axis=0)  # [H*W, D]
    # broadcast-add over batch dim, matching `output + row_pos + col_pos`
    return output + row_pos + col_pos

if __name__ == "__main__":
    import jax
    _d = setup_inputs()
    print(jax.jit(kernel)(*tuple(_d.values())))

</pallas_src>

<mosaic_0001>
#map = affine_map<(d0, d1) -> (0, 0)>
#map1 = affine_map<(d0, d1) -> (0)>
module attributes {stable_mosaic.version = 14 : i64} {
  func.func @_full_sc_pipe_kernel(%arg0: i32, %arg1: i32, %arg2: memref<65536x384xf32, #tpu.memory_space<hbm>>, %arg3: memref<32x384xf32, #tpu.memory_space<hbm>>, %arg4: memref<32x384xf32, #tpu.memory_space<hbm>>, %arg5: memref<1024xi32, #tpu.memory_space<hbm>>, %arg6: memref<1024xi32, #tpu.memory_space<hbm>>, %arg7: memref<65536x384xf32, #tpu.memory_space<hbm>>, %arg8: memref<32xi32, #tpu.memory_space<vmem>>, %arg9: memref<32xi32, #tpu.memory_space<vmem>>, %arg10: memref<32x384xf32, #tpu.memory_space<vmem>>, %arg11: memref<32x384xf32, #tpu.memory_space<vmem>>, %arg12: memref<32x384xf32, #tpu.memory_space<vmem>>, %arg13: memref<32x384xf32, #tpu.memory_space<vmem>>, %arg14: memref<32x384xf32, #tpu.memory_space<vmem>>, %arg15: memref<32x384xf32, #tpu.memory_space<vmem>>, %arg16: memref<!tpu.dma_semaphore, #tpu.memory_space<semaphore_mem>>, %arg17: memref<!tpu.dma_semaphore, #tpu.memory_space<semaphore_mem>>, %arg18: memref<!tpu.dma_semaphore, #tpu.memory_space<semaphore_mem>>, %arg19: memref<!tpu.dma_semaphore, #tpu.memory_space<semaphore_mem>>, %arg20: memref<!tpu.dma_semaphore, #tpu.memory_space<semaphore_mem>>, %arg21: memref<!tpu.dma_semaphore, #tpu.memory_space<semaphore_mem>>) attributes {dimension_semantics = [#tpu.dimension_semantics<core_parallel>, #tpu.dimension_semantics<subcore_parallel>], iteration_bounds = array<i64: 2, 16>, scalar_prefetch = 0 : i64, scratch_operands = 14 : i64, tpu.core_type = #tpu.core_type<sc_vector_subcore>, window_params = [{transform_indices = #map}, {transform_indices = #map}, {transform_indices = #map}, {transform_indices = #map1}, {transform_indices = #map1}, {transform_indices = #map}]} {
    %mul3A = arith.constant 2 : i32
    %mul3A_0 = arith.muli %arg1, %mul3A : i32
    %add3A = arith.addi %mul3A_0, %arg0 : i32
    %mul3A_1 = arith.constant 32 : i32
    %mul3A_2 = arith.muli %add3A, %mul3A_1 : i32
    "tpu.region"() ({
      %run_scoped3A = tpu.sem_alloc : memref<!tpu.dma_semaphore, #tpu.memory_space<semaphore_mem>>
      %dma_start3A_42 = tpu.memref_slice %arg5[%mul3A_2] : memref<1024xi32, #tpu.memory_space<hbm>> -> memref<32xi32, #tpu.memory_space<hbm>>
      %dma_start3A_43 = tpu.memref_slice %arg5[%mul3A_2] : memref<1024xi32, #tpu.memory_space<hbm>> -> memref<32xi32, #tpu.memory_space<hbm>>
      tpu.enqueue_dma source(%dma_start3A_43 : memref<32xi32, #tpu.memory_space<hbm>>) target(%arg8 : memref<32xi32, #tpu.memory_space<vmem>>) target_semaphore(%run_scoped3A : memref<!tpu.dma_semaphore, #tpu.memory_space<semaphore_mem>>)
      %dma_wait3A_44 = tpu.memref_slice %arg5[%mul3A_2] : memref<1024xi32, #tpu.memory_space<hbm>> -> memref<32xi32, #tpu.memory_space<hbm>>
      %dma_wait3A_45 = tpu.memref_slice %arg5[%mul3A_2] : memref<1024xi32, #tpu.memory_space<hbm>> -> memref<32xi32, #tpu.memory_space<hbm>>
      tpu.wait_dma2 semaphore(%run_scoped3A : memref<!tpu.dma_semaphore, #tpu.memory_space<semaphore_mem>>) src(%dma_wait3A_45 : memref<32xi32, #tpu.memory_space<hbm>>) dst(%arg8 : memref<32xi32, #tpu.memory_space<vmem>>)
      tpu.yield
    }) : () -> ()
    "tpu.region"() ({
      %run_scoped3A = tpu.sem_alloc : memref<!tpu.dma_semaphore, #tpu.memory_space<semaphore_mem>>
      %dma_start3A_42 = tpu.memref_slice %arg6[%mul3A_2] : memref<1024xi32, #tpu.memory_space<hbm>> -> memref<32xi32, #tpu.memory_space<hbm>>
      %dma_start3A_43 = tpu.memref_slice %arg6[%mul3A_2] : memref<1024xi32, #tpu.memory_space<hbm>> -> memref<32xi32, #tpu.memory_space<hbm>>
      tpu.enqueue_dma source(%dma_start3A_43 : memref<32xi32, #tpu.memory_space<hbm>>) target(%arg9 : memref<32xi32, #tpu.memory_space<vmem>>) target_semaphore(%run_scoped3A : memref<!tpu.dma_semaphore, #tpu.memory_space<semaphore_mem>>)
      %dma_wait3A_44 = tpu.memref_slice %arg6[%mul3A_2] : memref<1024xi32, #tpu.memory_space<hbm>> -> memref<32xi32, #tpu.memory_space<hbm>>
      %dma_wait3A_45 = tpu.memref_slice %arg6[%mul3A_2] : memref<1024xi32, #tpu.memory_space<hbm>> -> memref<32xi32, #tpu.memory_space<hbm>>
      tpu.wait_dma2 semaphore(%run_scoped3A : memref<!tpu.dma_semaphore, #tpu.memory_space<semaphore_mem>>) src(%dma_wait3A_45 : memref<32xi32, #tpu.memory_space<hbm>>) dst(%arg9 : memref<32xi32, #tpu.memory_space<vmem>>)
      tpu.yield
    }) : () -> ()
    %dma_start3A = arith.constant 0 : i32
    %dma_start3A_3 = arith.constant 0 : i32
    %dma_start3A_4 = tpu.memref_slice %arg3[%dma_start3A, %dma_start3A_3] : memref<32x384xf32, #tpu.memory_space<hbm>> -> memref<32x384xf32, #tpu.memory_space<hbm>>
    tpu.enqueue_indirect_dma source(%dma_start3A_4 : memref<32x384xf32, #tpu.memory_space<hbm>>) target(%arg10 : memref<32x384xf32, #tpu.memory_space<vmem>>) offsets(%arg8 : memref<32xi32, #tpu.memory_space<vmem>>) semaphore(%arg16 : memref<!tpu.dma_semaphore, #tpu.memory_space<semaphore_mem>>)
    %dma_start3A_5 = arith.constant 0 : i32
    %dma_start3A_6 = arith.constant 0 : i32
    %dma_start3A_7 = tpu.memref_slice %arg4[%dma_start3A_5, %dma_start3A_6] : memref<32x384xf32, #tpu.memory_space<hbm>> -> memref<32x384xf32, #tpu.memory_space<hbm>>
    tpu.enqueue_indirect_dma source(%dma_start3A_7 : memref<32x384xf32, #tpu.memory_space<hbm>>) target(%arg11 : memref<32x384xf32, #tpu.memory_space<vmem>>) offsets(%arg9 : memref<32xi32, #tpu.memory_space<vmem>>) semaphore(%arg17 : memref<!tpu.dma_semaphore, #tpu.memory_space<semaphore_mem>>)
    %dma_wait3A = arith.constant 0 : i32
    %dma_wait3A_8 = arith.constant 0 : i32
    %dma_wait3A_9 = tpu.memref_slice %arg3[%dma_wait3A, %dma_wait3A_8] : memref<32x384xf32, #tpu.memory_space<hbm>> -> memref<32x384xf32, #tpu.memory_space<hbm>>
    tpu.wait_indirect_dma semaphore(%arg16 : memref<!tpu.dma_semaphore, #tpu.memory_space<semaphore_mem>>) src(%dma_wait3A_9 : memref<32x384xf32, #tpu.memory_space<hbm>>) dst(%arg10 : memref<32x384xf32, #tpu.memory_space<vmem>>)
    %dma_wait3A_10 = arith.constant 0 : i32
    %dma_wait3A_11 = arith.constant 0 : i32
    %dma_wait3A_12 = tpu.memref_slice %arg4[%dma_wait3A_10, %dma_wait3A_11] : memref<32x384xf32, #tpu.memory_space<hbm>> -> memref<32x384xf32, #tpu.memory_space<hbm>>
    tpu.wait_indirect_dma semaphore(%arg17 : memref<!tpu.dma_semaphore, #tpu.memory_space<semaphore_mem>>) src(%dma_wait3A_12 : memref<32x384xf32, #tpu.memory_space<hbm>>) dst(%arg11 : memref<32x384xf32, #tpu.memory_space<vmem>>)
    %scan3A = arith.constant 0 : i32
    %scan3A_13 = arith.constant 0 : i32
    %scan3A_14 = arith.constant 32 : i32
    %scan3A_15 = arith.addi %scan3A_13, %scan3A_14 : i32
    %scan3A_16 = arith.constant 1 : i32
    scf.for %scan3A_42 = %scan3A_13 to %scan3A_15 step %scan3A_16  : i32 {
      %get3A = arith.index_cast %scan3A_42 : i32 to index
      %get3A_43 = arith.constant 0 : index
      %get3A_44 = tpu.vector_load %arg10[%get3A, %get3A_43] {strides = array<i32>} : memref<32x384xf32, #tpu.memory_space<vmem>>, vector<1x16xf32>,
      %get3A_45 = vector.shape_cast %get3A_44 : vector<1x16xf32> to vector<16xf32>
      %get3A_46 = arith.index_cast %scan3A_42 : i32 to index
      %get3A_47 = arith.constant 0 : index
      %get3A_48 = tpu.vector_load %arg11[%get3A_46, %get3A_47] {strides = array<i32>} : memref<32x384xf32, #tpu.memory_space<vmem>>, vector<1x16xf32>,
      %get3A_49 = vector.shape_cast %get3A_48 : vector<1x16xf32> to vector<16xf32>
      %add3A_50 = arith.addf %get3A_45, %get3A_49 : vector<16xf32>
      %swap3A = arith.index_cast %scan3A_42 : i32 to index
      %swap3A_51 = arith.constant 0 : index
      %swap3A_52 = tpu.vector_load %arg10[%swap3A, %swap3A_51] {strides = array<i32>} : memref<32x384xf32, #tpu.memory_space<vmem>>, vector<1x16xf32>,
      %swap3A_53 = vector.shape_cast %swap3A_52 : vector<1x16xf32> to vector<16xf32>
      %swap3A_54 = vector.shape_cast %add3A_50 : vector<16xf32> to vector<1x16xf32>
      tpu.vector_store %arg10[%swap3A, %swap3A_51], %swap3A_54 {strides = array<i32>} : memref<32x384xf32, #tpu.memory_space<vmem>>, vector<1x16xf32>,
      %get3A_55 = arith.index_cast %scan3A_42 : i32 to index
      %get3A_56 = arith.constant 16 : index
      %get3A_57 = tpu.vector_load %arg10[%get3A_55, %get3A_56] {strides = array<i32>} : memref<32x384xf32, #tpu.memory_space<vmem>>, vector<1x16xf32>,
      %get3A_58 = vector.shape_cast %get3A_57 : vector<1x16xf32> to vector<16xf32>
      %get3A_59 = arith.index_cast %scan3A_42 : i32 to index
      %get3A_60 = arith.constant 16 : index
      %get3A_61 = tpu.vector_load %arg11[%get3A_59, %get3A_60] {strides = array<i32>} : memref<32x384xf32, #tpu.memory_space<vmem>>, vector<1x16xf32>,
      %get3A_62 = vector.shape_cast %get3A_61 : vector<1x16xf32> to vector<16xf32>
      %add3A_63 = arith.addf %get3A_58, %get3A_62 : vector<16xf32>
      %swap3A_64 = arith.index_cast %scan3A_42 : i32 to index
      %swap3A_65 = arith.constant 16 : index
      %swap3A_66 = tpu.vector_load %arg10[%swap3A_64, %swap3A_65] {strides = array<i32>} : memref<32x384xf32, #tpu.memory_space<vmem>>, vector<1x16xf32>,
      %swap3A_67 = vector.shape_cast %swap3A_66 : vector<1x16xf32> to vector<16xf32>
      %swap3A_68 = vector.shape_cast %add3A_63 : vector<16xf32> to vector<1x16xf32>
      tpu.vector_store %arg10[%swap3A_64, %swap3A_65], %swap3A_68 {strides = array<i32>} : memref<32x384xf32, #tpu.memory_space<vmem>>, vector<1x16xf32>,
      %get3A_69 = arith.index_cast %scan3A_42 : i32 to index
      %get3A_70 = arith.constant 32 : index
      %get3A_71 = tpu.vector_load %arg10[%get3A_69, %get3A_70] {strides = array<i32>} : memref<32x384xf32, #tpu.memory_space<vmem>>, vector<1x16xf32>,
      %get3A_72 = vector.shape_cast %get3A_71 : vector<1x16xf32> to vector<16xf32>
      %get3A_73 = arith.index_cast %scan3A_42 : i32 to index
      %get3A_74 = arith.constant 32 : index
      %get3A_75 = tpu.vector_load %arg11[%get3A_73, %get3A_74] {strides = array<i32>} : memref<32x384xf32, #tpu.memory_space<vmem>>, vector<1x16xf32>,
      %get3A_76 = vector.shape_cast %get3A_75 : vector<1x16xf32> to vector<16xf32>
      %add3A_77 = arith.addf %get3A_72, %get3A_76 : vector<16xf32>
      %swap3A_78 = arith.index_cast %scan3A_42 : i32 to index
      %swap3A_79 = arith.constant 32 : index
      %swap3A_80 = tpu.vector_load %arg10[%swap3A_78, %swap3A_79] {strides = array<i32>} : memref<32x384xf32, #tpu.memory_space<vmem>>, vector<1x16xf32>,
      %swap3A_81 = vector.shape_cast %swap3A_80 : vector<1x16xf32> to vector<16xf32>
      %swap3A_82 = vector.shape_cast %add3A_77 : vector<16xf32> to vector<1x16xf32>
      tpu.vector_store %arg10[%swap3A_78, %swap3A_79], %swap3A_82 {strides = array<i32>} : memref<32x384xf32, #tpu.memory_space<vmem>>, vector<1x16xf32>,
      %get3A_83 = arith.index_cast %scan3A_42 : i32 to index
      %get3A_84 = arith.constant 48 : index
      %get3A_85 = tpu.vector_load %arg10[%get3A_83, %get3A_84] {strides = array<i32>} : memref<32x384xf32, #tpu.memory_space<vmem>>, vector<1x16xf32>,
      %get3A_86 = vector.shape_cast %get3A_85 : vector<1x16xf32> to vector<16xf32>
      %get3A_87 = arith.index_cast %scan3A_42 : i32 to index
      %get3A_88 = arith.constant 48 : index
      %get3A_89 = tpu.vector_load %arg11[%get3A_87, %get3A_88] {strides = array<i32>} : memref<32x384xf32, #tpu.memory_space<vmem>>, vector<1x16xf32>,
      %get3A_90 = vector.shape_cast %get3A_89 : vector<1x16xf32> to vector<16xf32>
      %add3A_91 = arith.addf %get3A_86, %get3A_90 : vector<16xf32>
      %swap3A_92 = arith.index_cast %scan3A_42 : i32 to index
      %swap3A_93 = arith.constant 48 : index
      %swap3A_94 = tpu.vector_load %arg10[%swap3A_92, %swap3A_93] {strides = array<i32>} : memref<32x384xf32, #tpu.memory_space<vmem>>, vector<1x16xf32>,
      %swap3A_95 = vector.shape_cast %swap3A_94 : vector<1x16xf32> to vector<16xf32>
      %swap3A_96 = vector.shape_cast %add3A_91 : vector<16xf32> to vector<1x16xf32>
      tpu.vector_store %arg10[%swap3A_92, %swap3A_93], %swap3A_96 {strides = array<i32>} : memref<32x384xf32, #tpu.memory_space<vmem>>, vector<1x16xf32>,
      %get3A_97 = arith.index_cast %scan3A_42 : i32 to index
      %get3A_98 = arith.constant 64 : index
      %get3A_99 = tpu.vector_load %arg10[%get3A_97, %get3A_98] {strides = array<i32>} : memref<32x384xf32, #tpu.memory_space<vmem>>, vector<1x16xf32>,
      %get3A_100 = vector.shape_cast %get3A_99 : vector<1x16xf32> to vector<16xf32>
      %get3A_101 = arith.index_cast %scan3A_42 : i32 to index
      %get3A_102 = arith.constant 64 : index
      %get3A_103 = tpu.vector_load %arg11[%get3A_101, %get3A_102] {strides = array<i32>} : memref<32x384xf32, #tpu.memory_space<vmem>>, vector<1x16xf32>,
      %get3A_104 = vector.shape_cast %get3A_103 : vector<1x16xf32> to vector<16xf32>
      %add3A_105 = arith.addf %get3A_100, %get3A_104 : vector<16xf32>
      %swap3A_106 = arith.index_cast %scan3A_42 : i32 to index
      %swap3A_107 = arith.constant 64 : index
      %swap3A_108 = tpu.vector_load %arg10[%swap3A_106, %swap3A_107] {strides = array<i32>} : memref<32x384xf32, #tpu.memory_space<vmem>>, vector<1x16xf32>,
      %swap3A_109 = vector.shape_cast %swap3A_108 : vector<1x16xf32> to vector<16xf32>
      %swap3A_110 = vector.shape_cast %add3A_105 : vector<16xf32> to vector<1x16xf32>
      tpu.vector_store %arg10[%swap3A_106, %swap3A_107], %swap3A_110 {strides = array<i32>} : memref<32x384xf32, #tpu.memory_space<vmem>>, vector<1x16xf32>,
      %get3A_111 = arith.index_cast %scan3A_42 : i32 to index
      %get3A_112 = arith.constant 80 : index
      %get3A_113 = tpu.vector_load %arg10[%get3A_111, %get3A_112] {strides = array<i32>} : memref<32x384xf32, #tpu.memory_space<vmem>>, vector<1x16xf32>,
      %get3A_114 = vector.shape_cast %get3A_113 : vector<1x16xf32> to vector<16xf32>
      %get3A_115 = arith.index_cast %scan3A_42 : i32 to index
      %get3A_116 = arith.constant 80 : index
      %get3A_117 = tpu.vector_load %arg11[%get3A_115, %get3A_116] {strides = array<i32>} : memref<32x384xf32, #tpu.memory_space<vmem>>, vector<1x16xf32>,
      %get3A_118 = vector.shape_cast %get3A_117 : vector<1x16xf32> to vector<16xf32>
      %add3A_119 = arith.addf %get3A_114, %get3A_118 : vector<16xf32>
      %swap3A_120 = arith.index_cast %scan3A_42 : i32 to index
      %swap3A_121 = arith.constant 80 : index
      %swap3A_122 = tpu.vector_load %arg10[%swap3A_120, %swap3A_121] {strides = array<i32>} : memref<32x384xf32, #tpu.memory_space<vmem>>, vector<1x16xf32>,
      %swap3A_123 = vector.shape_cast %swap3A_122 : vector<1x16xf32> to vector<16xf32>
      %swap3A_124 = vector.shape_cast %add3A_119 : vector<16xf32> to vector<1x16xf32>
      tpu.vector_store %arg10[%swap3A_120, %swap3A_121], %swap3A_124 {strides = array<i32>} : memref<32x384xf32, #tpu.memory_space<vmem>>, vector<1x16xf32>,
      %get3A_125 = arith.index_cast %scan3A_42 : i32 to index
      %get3A_126 = arith.constant 96 : index
      %get3A_127 = tpu.vector_load %arg10[%get3A_125, %get3A_126] {strides = array<i32>} : memref<32x384xf32, #tpu.memory_space<vmem>>, vector<1x16xf32>,
      %get3A_128 = vector.shape_cast %get3A_127 : vector<1x16xf32> to vector<16xf32>
      %get3A_129 = arith.index_cast %scan3A_42 : i32 to index
      %get3A_130 = arith.constant 96 : index
      %get3A_131 = tpu.vector_load %arg11[%get3A_129, %get3A_130] {strides = array<i32>} : memref<32x384xf32, #tpu.memory_space<vmem>>, vector<1x16xf32>,
      %get3A_132 = vector.shape_cast %get3A_131 : vector<1x16xf32> to vector<16xf32>
      %add3A_133 = arith.addf %get3A_128, %get3A_132 : vector<16xf32>
      %swap3A_134 = arith.index_cast %scan3A_42 : i32 to index
      %swap3A_135 = arith.constant 96 : index
      %swap3A_136 = tpu.vector_load %arg10[%swap3A_134, %swap3A_135] {strides = array<i32>} : memref<32x384xf32, #tpu.memory_space<vmem>>, vector<1x16xf32>,
      %swap3A_137 = vector.shape_cast %swap3A_136 : vector<1x16xf32> to vector<16xf32>
      %swap3A_138 = vector.shape_cast %add3A_133 : vector<16xf32> to vector<1x16xf32>
      tpu.vector_store %arg10[%swap3A_134, %swap3A_135], %swap3A_138 {strides = array<i32>} : memref<32x384xf32, #tpu.memory_space<vmem>>, vector<1x16xf32>,
      %get3A_139 = arith.index_cast %scan3A_42 : i32 to index
      %get3A_140 = arith.constant 112 : index
      %get3A_141 = tpu.vector_load %arg10[%get3A_139, %get3A_140] {strides = array<i32>} : memref<32x384xf32, #tpu.memory_space<vmem>>, vector<1x16xf32>,
      %get3A_142 = vector.shape_cast %get3A_141 : vector<1x16xf32> to vector<16xf32>
      %get3A_143 = arith.index_cast %scan3A_42 : i32 to index
      %get3A_144 = arith.constant 112 : index
      %get3A_145 = tpu.vector_load %arg11[%get3A_143, %get3A_144] {strides = array<i32>} : memref<32x384xf32, #tpu.memory_space<vmem>>, vector<1x16xf32>,
      %get3A_146 = vector.shape_cast %get3A_145 : vector<1x16xf32> to vector<16xf32>
      %add3A_147 = arith.addf %get3A_142, %get3A_146 : vector<16xf32>
      %swap3A_148 = arith.index_cast %scan3A_42 : i32 to index
      %swap3A_149 = arith.constant 112 : index
      %swap3A_150 = tpu.vector_load %arg10[%swap3A_148, %swap3A_149] {strides = array<i32>} : memref<32x384xf32, #tpu.memory_space<vmem>>, vector<1x16xf32>,
      %swap3A_151 = vector.shape_cast %swap3A_150 : vector<1x16xf32> to vector<16xf32>
      %swap3A_152 = vector.shape_cast %add3A_147 : vector<16xf32> to vector<1x16xf32>
      tpu.vector_store %arg10[%swap3A_148, %swap3A_149], %swap3A_152 {strides = array<i32>} : memref<32x384xf32, #tpu.memory_space<vmem>>, vector<1x16xf32>,
      %get3A_153 = arith.index_cast %scan3A_42 : i32 to index
      %get3A_154 = arith.constant 128 : index
      %get3A_155 = tpu.vector_load %arg10[%get3A_153, %get3A_154] {strides = array<i32>} : memref<32x384xf32, #tpu.memory_space<vmem>>, vector<1x16xf32>,
      %get3A_156 = vector.shape_cast %get3A_155 : vector<1x16xf32> to vector<16xf32>
      %get3A_157 = arith.index_cast %scan3A_42 : i32 to index
      %get3A_158 = arith.constant 128 : index
      %get3A_159 = tpu.vector_load %arg11[%get3A_157, %get3A_158] {strides = array<i32>} : memref<32x384xf32, #tpu.memory_space<vmem>>, vector<1x16xf32>,
      %get3A_160 = vector.shape_cast %get3A_159 : vector<1x16xf32> to vector<16xf32>
      %add3A_161 = arith.addf %get3A_156, %get3A_160 : vector<16xf32>
      %swap3A_162 = arith.index_cast %scan3A_42 : i32 to index
      %swap3A_163 = arith.constant 128 : index
      %swap3A_164 = tpu.vector_load %arg10[%swap3A_162, %swap3A_163] {strides = array<i32>} : memref<32x384xf32, #tpu.memory_space<vmem>>, vector<1x16xf32>,
      %swap3A_165 = vector.shape_cast %swap3A_164 : vector<1x16xf32> to vector<16xf32>
      %swap3A_166 = vector.shape_cast %add3A_161 : vector<16xf32> to vector<1x16xf32>
      tpu.vector_store %arg10[%swap3A_162, %swap3A_163], %swap3A_166 {strides = array<i32>} : memref<32x384xf32, #tpu.memory_space<vmem>>, vector<1x16xf32>,
      %get3A_167 = arith.index_cast %scan3A_42 : i32 to index
      %get3A_168 = arith.constant 144 : index
      %get3A_169 = tpu.vector_load %arg10[%get3A_167, %get3A_168] {strides = array<i32>} : memref<32x384xf32, #tpu.memory_space<vmem>>, vector<1x16xf32>,
      %get3A_170 = vector.shape_cast %get3A_169 : vector<1x16xf32> to vector<16xf32>
      %get3A_171 = arith.index_cast %scan3A_42 : i32 to index
      %get3A_172 = arith.constant 144 : index
      %get3A_173 = tpu.vector_load %arg11[%get3A_171, %get3A_172] {strides = array<i32>} : memref<32x384xf32, #tpu.memory_space<vmem>>, vector<1x16xf32>,
      %get3A_174 = vector.shape_cast %get3A_173 : vector<1x16xf32> to vector<16xf32>
      %add3A_175 = arith.addf %get3A_170, %get3A_174 : vector<16xf32>
      %swap3A_176 = arith.index_cast %scan3A_42 : i32 to index
      %swap3A_177 = arith.constant 144 : index
      %swap3A_178 = tpu.vector_load %arg10[%swap3A_176, %swap3A_177] {strides = array<i32>} : memref<32x384xf32, #tpu.memory_space<vmem>>, vector<1x16xf32>,
      %swap3A_179 = vector.shape_cast %swap3A_178 : vector<1x16xf32> to vector<16xf32>
      %swap3A_180 = vector.shape_cast %add3A_175 : vector<16xf32> to vector<1x16xf32>
      tpu.vector_store %arg10[%swap3A_176, %swap3A_177], %swap3A_180 {strides = array<i32>} : memref<32x384xf32, #tpu.memory_space<vmem>>, vector<1x16xf32>,
      %get3A_181 = arith.index_cast %scan3A_42 : i32 to index
      %get3A_182 = arith.constant 160 : index
      %get3A_183 = tpu.vector_load %arg10[%get3A_181, %get3A_182] {strides = array<i32>} : memref<32x384xf32, #tpu.memory_space<vmem>>, vector<1x16xf32>,
      %get3A_184 = vector.shape_cast %get3A_183 : vector<1x16xf32> to vector<16xf32>
      %get3A_185 = arith.index_cast %scan3A_42 : i32 to index
      %get3A_186 = arith.constant 160 : index
      %get3A_187 = tpu.vector_load %arg11[%get3A_185, %get3A_186] {strides = array<i32>} : memref<32x384xf32, #tpu.memory_space<vmem>>, vector<1x16xf32>,
      %get3A_188 = vector.shape_cast %get3A_187 : vector<1x16xf32> to vector<16xf32>
      %add3A_189 = arith.addf %get3A_184, %get3A_188 : vector<16xf32>
      %swap3A_190 = arith.index_cast %scan3A_42 : i32 to index
      %swap3A_191 = arith.constant 160 : index
      %swap3A_192 = tpu.vector_load %arg10[%swap3A_190, %swap3A_191] {strides = array<i32>} : memref<32x384xf32, #tpu.memory_space<vmem>>, vector<1x16xf32>,
      %swap3A_193 = vector.shape_cast %swap3A_192 : vector<1x16xf32> to vector<16xf32>
      %swap3A_194 = vector.shape_cast %add3A_189 : vector<16xf32> to vector<1x16xf32>
      tpu.vector_store %arg10[%swap3A_190, %swap3A_191], %swap3A_194 {strides = array<i32>} : memref<32x384xf32, #tpu.memory_space<vmem>>, vector<1x16xf32>,
      %get3A_195 = arith.index_cast %scan3A_42 : i32 to index
      %get3A_196 = arith.constant 176 : index
      %get3A_197 = tpu.vector_load %arg10[%get3A_195, %get3A_196] {strides = array<i32>} : memref<32x384xf32, #tpu.memory_space<vmem>>, vector<1x16xf32>,
      %get3A_198 = vector.shape_cast %get3A_197 : vector<1x16xf32> to vector<16xf32>
      %get3A_199 = arith.index_cast %scan3A_42 : i32 to index
      %get3A_200 = arith.constant 176 : index
      %get3A_201 = tpu.vector_load %arg11[%get3A_199, %get3A_200] {strides = array<i32>} : memref<32x384xf32, #tpu.memory_space<vmem>>, vector<1x16xf32>,
      %get3A_202 = vector.shape_cast %get3A_201 : vector<1x16xf32> to vector<16xf32>
      %add3A_203 = arith.addf %get3A_198, %get3A_202 : vector<16xf32>
      %swap3A_204 = arith.index_cast %scan3A_42 : i32 to index
      %swap3A_205 = arith.constant 176 : index
      %swap3A_206 = tpu.vector_load %arg10[%swap3A_204, %swap3A_205] {strides = array<i32>} : memref<32x384xf32, #tpu.memory_space<vmem>>, vector<1x16xf32>,
      %swap3A_207 = vector.shape_cast %swap3A_206 : vector<1x16xf32> to vector<16xf32>
      %swap3A_208 = vector.shape_cast %add3A_203 : vector<16xf32> to vector<1x16xf32>
      tpu.vector_store %arg10[%swap3A_204, %swap3A_205], %swap3A_208 {strides = array<i32>} : memref<32x384xf32, #tpu.memory_space<vmem>>, vector<1x16xf32>,
      %get3A_209 = arith.index_cast %scan3A_42 : i32 to index
      %get3A_210 = arith.constant 192 : index
      %get3A_211 = tpu.vector_load %arg10[%get3A_209, %get3A_210] {strides = array<i32>} : memref<32x384xf32, #tpu.memory_space<vmem>>, vector<1x16xf32>,
      %get3A_212 = vector.shape_cast %get3A_211 : vector<1x16xf32> to vector<16xf32>
      %get3A_213 = arith.index_cast %scan3A_42 : i32 to index
      %get3A_214 = arith.constant 192 : index
      %get3A_215 = tpu.vector_load %arg11[%get3A_213, %get3A_214] {strides = array<i32>} : memref<32x384xf32, #tpu.memory_space<vmem>>, vector<1x16xf32>,
      %get3A_216 = vector.shape_cast %get3A_215 : vector<1x16xf32> to vector<16xf32>
      %add3A_217 = arith.addf %get3A_212, %get3A_216 : vector<16xf32>
      %swap3A_218 = arith.index_cast %scan3A_42 : i32 to index
      %swap3A_219 = arith.constant 192 : index
      %swap3A_220 = tpu.vector_load %arg10[%swap3A_218, %swap3A_219] {strides = array<i32>} : memref<32x384xf32, #tpu.memory_space<vmem>>, vector<1x16xf32>,
      %swap3A_221 = vector.shape_cast %swap3A_220 : vector<1x16xf32> to vector<16xf32>
      %swap3A_222 = vector.shape_cast %add3A_217 : vector<16xf32> to vector<1x16xf32>
      tpu.vector_store %arg10[%swap3A_218, %swap3A_219], %swap3A_222 {strides = array<i32>} : memref<32x384xf32, #tpu.memory_space<vmem>>, vector<1x16xf32>,
      %get3A_223 = arith.index_cast %scan3A_42 : i32 to index
      %get3A_224 = arith.constant 208 : index
      %get3A_225 = tpu.vector_load %arg10[%get3A_223, %get3A_224] {strides = array<i32>} : memref<32x384xf32, #tpu.memory_space<vmem>>, vector<1x16xf32>,
      %get3A_226 = vector.shape_cast %get3A_225 : vector<1x16xf32> to vector<16xf32>
      %get3A_227 = arith.index_cast %scan3A_42 : i32 to index
      %get3A_228 = arith.constant 208 : index
      %get3A_229 = tpu.vector_load %arg11[%get3A_227, %get3A_228] {strides = array<i32>} : memref<32x384xf32, #tpu.memory_space<vmem>>, vector<1x16xf32>,
      %get3A_230 = vector.shape_cast %get3A_229 : vector<1x16xf32> to vector<16xf32>
      %add3A_231 = arith.addf %get3A_226, %get3A_230 : vector<16xf32>
      %swap3A_232 = arith.index_cast %scan3A_42 : i32 to index
      %swap3A_233 = arith.constant 208 : index
      %swap3A_234 = tpu.vector_load %arg10[%swap3A_232, %swap3A_233] {strides = array<i32>} : memref<32x384xf32, #tpu.memory_space<vmem>>, vector<1x16xf32>,
      %swap3A_235 = vector.shape_cast %swap3A_234 : vector<1x16xf32> to vector<16xf32>
      %swap3A_236 = vector.shape_cast %add3A_231 : vector<16xf32> to vector<1x16xf32>
      tpu.vector_store %arg10[%swap3A_232, %swap3A_233], %swap3A_236 {strides = array<i32>} : memref<32x384xf32, #tpu.memory_space<vmem>>, vector<1x16xf32>,
      %get3A_237 = arith.index_cast %scan3A_42 : i32 to index
      %get3A_238 = arith.constant 224 : index
      %get3A_239 = tpu.vector_load %arg10[%get3A_237, %get3A_238] {strides = array<i32>} : memref<32x384xf32, #tpu.memory_space<vmem>>, vector<1x16xf32>,
      %get3A_240 = vector.shape_cast %get3A_239 : vector<1x16xf32> to vector<16xf32>
      %get3A_241 = arith.index_cast %scan3A_42 : i32 to index
      %get3A_242 = arith.constant 224 : index
      %get3A_243 = tpu.vector_load %arg11[%get3A_241, %get3A_242] {strides = array<i32>} : memref<32x384xf32, #tpu.memory_space<vmem>>, vector<1x16xf32>,
      %get3A_244 = vector.shape_cast %get3A_243 : vector<1x16xf32> to vector<16xf32>
      %add3A_245 = arith.addf %get3A_240, %get3A_244 : vector<16xf32>
      %swap3A_246 = arith.index_cast %scan3A_42 : i32 to index
      %swap3A_247 = arith.constant 224 : index
      %swap3A_248 = tpu.vector_load %arg10[%swap3A_246, %swap3A_247] {strides = array<i32>} : memref<32x384xf32, #tpu.memory_space<vmem>>, vector<1x16xf32>,
      %swap3A_249 = vector.shape_cast %swap3A_248 : vector<1x16xf32> to vector<16xf32>
      %swap3A_250 = vector.shape_cast %add3A_245 : vector<16xf32> to vector<1x16xf32>
      tpu.vector_store %arg10[%swap3A_246, %swap3A_247], %swap3A_250 {strides = array<i32>} : memref<32x384xf32, #tpu.memory_space<vmem>>, vector<1x16xf32>,
      %get3A_251 = arith.index_cast %scan3A_42 : i32 to index
      %get3A_252 = arith.constant 240 : index
      %get3A_253 = tpu.vector_load %arg10[%get3A_251, %get3A_252] {strides = array<i32>} : memref<32x384xf32, #tpu.memory_space<vmem>>, vector<1x16xf32>,
      %get3A_254 = vector.shape_cast %get3A_253 : vector<1x16xf32> to vector<16xf32>
      %get3A_255 = arith.index_cast %scan3A_42 : i32 to index
      %get3A_256 = arith.constant 240 : index
      %get3A_257 = tpu.vector_load %arg11[%get3A_255, %get3A_256] {strides = array<i32>} : memref<32x384xf32, #tpu.memory_space<vmem>>, vector<1x16xf32>,
      %get3A_258 = vector.shape_cast %get3A_257 : vector<1x16xf32> to vector<16xf32>
      %add3A_259 = arith.addf %get3A_254, %get3A_258 : vector<16xf32>
      %swap3A_260 = arith.index_cast %scan3A_42 : i32 to index
      %swap3A_261 = arith.constant 240 : index
      %swap3A_262 = tpu.vector_load %arg10[%swap3A_260, %swap3A_261] {strides = array<i32>} : memref<32x384xf32, #tpu.memory_space<vmem>>, vector<1x16xf32>,
      %swap3A_263 = vector.shape_cast %swap3A_262 : vector<1x16xf32> to vector<16xf32>
      %swap3A_264 = vector.shape_cast %add3A_259 : vector<16xf32> to vector<1x16xf32>
      tpu.vector_store %arg10[%swap3A_260, %swap3A_261], %swap3A_264 {strides = array<i32>} : memref<32x384xf32, #tpu.memory_space<vmem>>, vector<1x16xf32>,
      %get3A_265 = arith.index_cast %scan3A_42 : i32 to index
      %get3A_266 = arith.constant 256 : index
      %get3A_267 = tpu.vector_load %arg10[%get3A_265, %get3A_266] {strides = array<i32>} : memref<32x384xf32, #tpu.memory_space<vmem>>, vector<1x16xf32>,
      %get3A_268 = vector.shape_cast %get3A_267 : vector<1x16xf32> to vector<16xf32>
      %get3A_269 = arith.index_cast %scan3A_42 : i32 to index
      %get3A_270 = arith.constant 256 : index
      %get3A_271 = tpu.vector_load %arg11[%get3A_269, %get3A_270] {strides = array<i32>} : memref<32x384xf32, #tpu.memory_space<vmem>>, vector<1x16xf32>,
      %get3A_272 = vector.shape_cast %get3A_271 : vector<1x16xf32> to vector<16xf32>
      %add3A_273 = arith.addf %get3A_268, %get3A_272 : vector<16xf32>
      %swap3A_274 = arith.index_cast %scan3A_42 : i32 to index
      %swap3A_275 = arith.constant 256 : index
      %swap3A_276 = tpu.vector_load %arg10[%swap3A_274, %swap3A_275] {strides = array<i32>} : memref<32x384xf32, #tpu.memory_space<vmem>>, vector<1x16xf32>,
      %swap3A_277 = vector.shape_cast %swap3A_276 : vector<1x16xf32> to vector<16xf32>
      %swap3A_278 = vector.shape_cast %add3A_273 : vector<16xf32> to vector<1x16xf32>
      tpu.vector_store %arg10[%swap3A_274, %swap3A_275], %swap3A_278 {strides = array<i32>} : memref<32x384xf32, #tpu.memory_space<vmem>>, vector<1x16xf32>,
      %get3A_279 = arith.index_cast %scan3A_42 : i32 to index
      %get3A_280 = arith.constant 272 : index
      %get3A_281 = tpu.vector_load %arg10[%get3A_279, %get3A_280] {strides = array<i32>} : memref<32x384xf32, #tpu.memory_space<vmem>>, vector<1x16xf32>,
      %get3A_282 = vector.shape_cast %get3A_281 : vector<1x16xf32> to vector<16xf32>
      %get3A_283 = arith.index_cast %scan3A_42 : i32 to index
      %get3A_284 = arith.constant 272 : index
      %get3A_285 = tpu.vector_load %arg11[%get3A_283, %get3A_284] {strides = array<i32>} : memref<32x384xf32, #tpu.memory_space<vmem>>, vector<1x16xf32>,
      %get3A_286 = vector.shape_cast %get3A_285 : vector<1x16xf32> to vector<16xf32>
      %add3A_287 = arith.addf %get3A_282, %get3A_286 : vector<16xf32>
      %swap3A_288 = arith.index_cast %scan3A_42 : i32 to index
      %swap3A_289 = arith.constant 272 : index
      %swap3A_290 = tpu.vector_load %arg10[%swap3A_288, %swap3A_289] {strides = array<i32>} : memref<32x384xf32, #tpu.memory_space<vmem>>, vector<1x16xf32>,
      %swap3A_291 = vector.shape_cast %swap3A_290 : vector<1x16xf32> to vector<16xf32>
      %swap3A_292 = vector.shape_cast %add3A_287 : vector<16xf32> to vector<1x16xf32>
      tpu.vector_store %arg10[%swap3A_288, %swap3A_289], %swap3A_292 {strides = array<i32>} : memref<32x384xf32, #tpu.memory_space<vmem>>, vector<1x16xf32>,
      %get3A_293 = arith.index_cast %scan3A_42 : i32 to index
      %get3A_294 = arith.constant 288 : index
      %get3A_295 = tpu.vector_load %arg10[%get3A_293, %get3A_294] {strides = array<i32>} : memref<32x384xf32, #tpu.memory_space<vmem>>, vector<1x16xf32>,
      %get3A_296 = vector.shape_cast %get3A_295 : vector<1x16xf32> to vector<16xf32>
      %get3A_297 = arith.index_cast %scan3A_42 : i32 to index
      %get3A_298 = arith.constant 288 : index
      %get3A_299 = tpu.vector_load %arg11[%get3A_297, %get3A_298] {strides = array<i32>} : memref<32x384xf32, #tpu.memory_space<vmem>>, vector<1x16xf32>,
      %get3A_300 = vector.shape_cast %get3A_299 : vector<1x16xf32> to vector<16xf32>
      %add3A_301 = arith.addf %get3A_296, %get3A_300 : vector<16xf32>
      %swap3A_302 = arith.index_cast %scan3A_42 : i32 to index
      %swap3A_303 = arith.constant 288 : index
      %swap3A_304 = tpu.vector_load %arg10[%swap3A_302, %swap3A_303] {strides = array<i32>} : memref<32x384xf32, #tpu.memory_space<vmem>>, vector<1x16xf32>,
      %swap3A_305 = vector.shape_cast %swap3A_304 : vector<1x16xf32> to vector<16xf32>
      %swap3A_306 = vector.shape_cast %add3A_301 : vector<16xf32> to vector<1x16xf32>
      tpu.vector_store %arg10[%swap3A_302, %swap3A_303], %swap3A_306 {strides = array<i32>} : memref<32x384xf32, #tpu.memory_space<vmem>>, vector<1x16xf32>,
      %get3A_307 = arith.index_cast %scan3A_42 : i32 to index
      %get3A_308 = arith.constant 304 : index
      %get3A_309 = tpu.vector_load %arg10[%get3A_307, %get3A_308] {strides = array<i32>} : memref<32x384xf32, #tpu.memory_space<vmem>>, vector<1x16xf32>,
      %get3A_310 = vector.shape_cast %get3A_309 : vector<1x16xf32> to vector<16xf32>
      %get3A_311 = arith.index_cast %scan3A_42 : i32 to index
      %get3A_312 = arith.constant 304 : index
      %get3A_313 = tpu.vector_load %arg11[%get3A_311, %get3A_312] {strides = array<i32>} : memref<32x384xf32, #tpu.memory_space<vmem>>, vector<1x16xf32>,
      %get3A_314 = vector.shape_cast %get3A_313 : vector<1x16xf32> to vector<16xf32>
      %add3A_315 = arith.addf %get3A_310, %get3A_314 : vector<16xf32>
      %swap3A_316 = arith.index_cast %scan3A_42 : i32 to index
      %swap3A_317 = arith.constant 304 : index
      %swap3A_318 = tpu.vector_load %arg10[%swap3A_316, %swap3A_317] {strides = array<i32>} : memref<32x384xf32, #tpu.memory_space<vmem>>, vector<1x16xf32>,
      %swap3A_319 = vector.shape_cast %swap3A_318 : vector<1x16xf32> to vector<16xf32>
      %swap3A_320 = vector.shape_cast %add3A_315 : vector<16xf32> to vector<1x16xf32>
      tpu.vector_store %arg10[%swap3A_316, %swap3A_317], %swap3A_320 {strides = array<i32>} : memref<32x384xf32, #tpu.memory_space<vmem>>, vector<1x16xf32>,
      %get3A_321 = arith.index_cast %scan3A_42 : i32 to index
      %get3A_322 = arith.constant 320 : index
      %get3A_323 = tpu.vector_load %arg10[%get3A_321, %get3A_322] {strides = array<i32>} : memref<32x384xf32, #tpu.memory_space<vmem>>, vector<1x16xf32>,
      %get3A_324 = vector.shape_cast %get3A_323 : vector<1x16xf32> to vector<16xf32>
      %get3A_325 = arith.index_cast %scan3A_42 : i32 to index
      %get3A_326 = arith.constant 320 : index
      %get3A_327 = tpu.vector_load %arg11[%get3A_325, %get3A_326] {strides = array<i32>} : memref<32x384xf32, #tpu.memory_space<vmem>>, vector<1x16xf32>,
      %get3A_328 = vector.shape_cast %get3A_327 : vector<1x16xf32> to vector<16xf32>
      %add3A_329 = arith.addf %get3A_324, %get3A_328 : vector<16xf32>
      %swap3A_330 = arith.index_cast %scan3A_42 : i32 to index
      %swap3A_331 = arith.constant 320 : index
      %swap3A_332 = tpu.vector_load %arg10[%swap3A_330, %swap3A_331] {strides = array<i32>} : memref<32x384xf32, #tpu.memory_space<vmem>>, vector<1x16xf32>,
      %swap3A_333 = vector.shape_cast %swap3A_332 : vector<1x16xf32> to vector<16xf32>
      %swap3A_334 = vector.shape_cast %add3A_329 : vector<16xf32> to vector<1x16xf32>
      tpu.vector_store %arg10[%swap3A_330, %swap3A_331], %swap3A_334 {strides = array<i32>} : memref<32x384xf32, #tpu.memory_space<vmem>>, vector<1x16xf32>,
      %get3A_335 = arith.index_cast %scan3A_42 : i32 to index
      %get3A_336 = arith.constant 336 : index
      %get3A_337 = tpu.vector_load %arg10[%get3A_335, %get3A_336] {strides = array<i32>} : memref<32x384xf32, #tpu.memory_space<vmem>>, vector<1x16xf32>,
      %get3A_338 = vector.shape_cast %get3A_337 : vector<1x16xf32> to vector<16xf32>
      %get3A_339 = arith.index_cast %scan3A_42 : i32 to index
      %get3A_340 = arith.constant 336 : index
      %get3A_341 = tpu.vector_load %arg11[%get3A_339, %get3A_340] {strides = array<i32>} : memref<32x384xf32, #tpu.memory_space<vmem>>, vector<1x16xf32>,
      %get3A_342 = vector.shape_cast %get3A_341 : vector<1x16xf32> to vector<16xf32>
      %add3A_343 = arith.addf %get3A_338, %get3A_342 : vector<16xf32>
      %swap3A_344 = arith.index_cast %scan3A_42 : i32 to index
      %swap3A_345 = arith.constant 336 : index
      %swap3A_346 = tpu.vector_load %arg10[%swap3A_344, %swap3A_345] {strides = array<i32>} : memref<32x384xf32, #tpu.memory_space<vmem>>, vector<1x16xf32>,
      %swap3A_347 = vector.shape_cast %swap3A_346 : vector<1x16xf32> to vector<16xf32>
      %swap3A_348 = vector.shape_cast %add3A_343 : vector<16xf32> to vector<1x16xf32>
      tpu.vector_store %arg10[%swap3A_344, %swap3A_345], %swap3A_348 {strides = array<i32>} : memref<32x384xf32, #tpu.memory_space<vmem>>, vector<1x16xf32>,
      %get3A_349 = arith.index_cast %scan3A_42 : i32 to index
      %get3A_350 = arith.constant 352 : index
      %get3A_351 = tpu.vector_load %arg10[%get3A_349, %get3A_350] {strides = array<i32>} : memref<32x384xf32, #tpu.memory_space<vmem>>, vector<1x16xf32>,
      %get3A_352 = vector.shape_cast %get3A_351 : vector<1x16xf32> to vector<16xf32>
      %get3A_353 = arith.index_cast %scan3A_42 : i32 to index
      %get3A_354 = arith.constant 352 : index
      %get3A_355 = tpu.vector_load %arg11[%get3A_353, %get3A_354] {strides = array<i32>} : memref<32x384xf32, #tpu.memory_space<vmem>>, vector<1x16xf32>,
      %get3A_356 = vector.shape_cast %get3A_355 : vector<1x16xf32> to vector<16xf32>
      %add3A_357 = arith.addf %get3A_352, %get3A_356 : vector<16xf32>
      %swap3A_358 = arith.index_cast %scan3A_42 : i32 to index
      %swap3A_359 = arith.constant 352 : index
      %swap3A_360 = tpu.vector_load %arg10[%swap3A_358, %swap3A_359] {strides = array<i32>} : memref<32x384xf32, #tpu.memory_space<vmem>>, vector<1x16xf32>,
      %swap3A_361 = vector.shape_cast %swap3A_360 : vector<1x16xf32> to vector<16xf32>
      %swap3A_362 = vector.shape_cast %add3A_357 : vector<16xf32> to vector<1x16xf32>
      tpu.vector_store %arg10[%swap3A_358, %swap3A_359], %swap3A_362 {strides = array<i32>} : memref<32x384xf32, #tpu.memory_space<vmem>>, vector<1x16xf32>,
      %get3A_363 = arith.index_cast %scan3A_42 : i32 to index
      %get3A_364 = arith.constant 368 : index
      %get3A_365 = tpu.vector_load %arg10[%get3A_363, %get3A_364] {strides = array<i32>} : memref<32x384xf32, #tpu.memory_space<vmem>>, vector<1x16xf32>,
      %get3A_366 = vector.shape_cast %get3A_365 : vector<1x16xf32> to vector<16xf32>
      %get3A_367 = arith.index_cast %scan3A_42 : i32 to index
      %get3A_368 = arith.constant 368 : index
      %get3A_369 = tpu.vector_load %arg11[%get3A_367, %get3A_368] {strides = array<i32>} : memref<32x384xf32, #tpu.memory_space<vmem>>, vector<1x16xf32>,
      %get3A_370 = vector.shape_cast %get3A_369 : vector<1x16xf32> to vector<16xf32>
      %add3A_371 = arith.addf %get3A_366, %get3A_370 : vector<16xf32>
      %swap3A_372 = arith.index_cast %scan3A_42 : i32 to index
      %swap3A_373 = arith.constant 368 : index
      %swap3A_374 = tpu.vector_load %arg10[%swap3A_372, %swap3A_373] {strides = array<i32>} : memref<32x384xf32, #tpu.memory_space<vmem>>, vector<1x16xf32>,
      %swap3A_375 = vector.shape_cast %swap3A_374 : vector<1x16xf32> to vector<16xf32>
      %swap3A_376 = vector.shape_cast %add3A_371 : vector<16xf32> to vector<1x16xf32>
      tpu.vector_store %arg10[%swap3A_372, %swap3A_373], %swap3A_376 {strides = array<i32>} : memref<32x384xf32, #tpu.memory_space<vmem>>, vector<1x16xf32>,
    }
    %scan3A_17 = arith.constant 32 : i32
    %dma_start3A_18 = arith.constant 0 : i32
    %dma_start3A_19 = tpu.memref_slice %arg2[%mul3A_2, %dma_start3A_18] : memref<65536x384xf32, #tpu.memory_space<hbm>> -> memref<32x384xf32, #tpu.memory_space<hbm>>
    %dma_start3A_20 = arith.constant 0 : i32
    %dma_start3A_21 = tpu.memref_slice %arg2[%mul3A_2, %dma_start3A_20] : memref<65536x384xf32, #tpu.memory_space<hbm>> -> memref<32x384xf32, #tpu.memory_space<hbm>>
    tpu.enqueue_dma source(%dma_start3A_21 : memref<32x384xf32, #tpu.memory_space<hbm>>) target(%arg12 : memref<32x384xf32, #tpu.memory_space<vmem>>) target_semaphore(%arg18 : memref<!tpu.dma_semaphore, #tpu.memory_space<semaphore_mem>>)
    %add3A_22 = arith.constant 1024 : i32
    %add3A_23 = arith.addi %add3A_22, %mul3A_2 : i32
    %dma_start3A_24 = arith.constant 0 : i32
    %dma_start3A_25 = tpu.memref_slice %arg2[%add3A_23, %dma_start3A_24] : memref<65536x384xf32, #tpu.memory_space<hbm>> -> memref<32x384xf32, #tpu.memory_space<hbm>>
    %dma_start3A_26 = arith.constant 0 : i32
    %dma_start3A_27 = tpu.memref_slice %arg2[%add3A_23, %dma_start3A_26] : memref<65536x384xf32, #tpu.memory_space<hbm>> -> memref<32x384xf32, #tpu.memory_space<hbm>>
    tpu.enqueue_dma source(%dma_start3A_27 : memref<32x384xf32, #tpu.memory_space<hbm>>) target(%arg13 : memref<32x384xf32, #tpu.memory_space<vmem>>) target_semaphore(%arg19 : memref<!tpu.dma_semaphore, #tpu.memory_space<semaphore_mem>>)
    %scan3A_28 = arith.constant 0 : i32
    %scan3A_29 = arith.constant 0 : i32
    %scan3A_30 = arith.constant 32 : i32
    %scan3A_31 = arith.addi %scan3A_29, %scan3A_30 : i32
    %scan3A_32 = arith.constant 1 : i32
    scf.for %scan3A_42 = %scan3A_29 to %scan3A_31 step %scan3A_32  : i32 {
      %mul3A_43 = arith.constant 2 : i32
      %mul3A_44 = arith.muli %mul3A_43, %scan3A_42 : i32
      %add3A_45 = arith.constant 0 : i32
      %add3A_46 = arith.addi %mul3A_44, %add3A_45 : i32
      %mul3A_47 = arith.constant 1024 : i32
      %mul3A_48 = arith.muli %add3A_46, %mul3A_47 : i32
      %add3A_49 = arith.addi %mul3A_48, %mul3A_2 : i32
      %dma_wait3A_50 = arith.constant 0 : i32
      %dma_wait3A_51 = tpu.memref_slice %arg2[%add3A_49, %dma_wait3A_50] : memref<65536x384xf32, #tpu.memory_space<hbm>> -> memref<32x384xf32, #tpu.memory_space<hbm>>
      %dma_wait3A_52 = arith.constant 0 : i32
      %dma_wait3A_53 = tpu.memref_slice %arg2[%add3A_49, %dma_wait3A_52] : memref<65536x384xf32, #tpu.memory_space<hbm>> -> memref<32x384xf32, #tpu.memory_space<hbm>>
      tpu.wait_dma2 semaphore(%arg18 : memref<!tpu.dma_semaphore, #tpu.memory_space<semaphore_mem>>) src(%dma_wait3A_53 : memref<32x384xf32, #tpu.memory_space<hbm>>) dst(%arg12 : memref<32x384xf32, #tpu.memory_space<vmem>>)
      %ge3A = arith.constant 2 : i32
      %ge3A_54 = arith.cmpi sge, %add3A_46, %ge3A : i32
      %convert_element_type3A = arith.extui %ge3A_54 : i1 to i32
      %cond3A = arith.constant 0 : i32
      %cond3A_55 = arith.cmpi ne, %convert_element_type3A, %cond3A : i32
      scf.if %cond3A_55 {
        %dma_wait3A_105 = arith.constant 0 : i32
        %dma_wait3A_106 = tpu.memref_slice %arg7[%add3A_49, %dma_wait3A_105] : memref<65536x384xf32, #tpu.memory_space<hbm>> -> memref<32x384xf32, #tpu.memory_space<hbm>>
        %dma_wait3A_107 = arith.constant 0 : i32
        %dma_wait3A_108 = tpu.memref_slice %arg7[%add3A_49, %dma_wait3A_107] : memref<65536x384xf32, #tpu.memory_space<hbm>> -> memref<32x384xf32, #tpu.memory_space<hbm>>
        tpu.wait_dma2 semaphore(%arg20 : memref<!tpu.dma_semaphore, #tpu.memory_space<semaphore_mem>>) src(%arg14 : memref<32x384xf32, #tpu.memory_space<vmem>>) dst(%dma_wait3A_108 : memref<32x384xf32, #tpu.memory_space<hbm>>)
      } else {
      }
      %scan3A_56 = arith.constant 0 : i32
      %scan3A_57 = arith.constant 0 : i32
      %scan3A_58 = arith.constant 32 : i32
      %scan3A_59 = arith.addi %scan3A_57, %scan3A_58 : i32
      %scan3A_60 = arith.constant 1 : i32
      scf.for %scan3A_105 = %scan3A_57 to %scan3A_59 step %scan3A_60  : i32 {
        %get3A = arith.index_cast %scan3A_105 : i32 to index
        %get3A_106 = arith.constant 0 : index
        %get3A_107 = tpu.vector_load %arg12[%get3A, %get3A_106] {strides = array<i32>} : memref<32x384xf32, #tpu.memory_space<vmem>>, vector<1x16xf32>,
        %get3A_108 = vector.shape_cast %get3A_107 : vector<1x16xf32> to vector<16xf32>
        %get3A_109 = arith.index_cast %scan3A_105 : i32 to index
        %get3A_110 = arith.constant 0 : index
        %get3A_111 = tpu.vector_load %arg10[%get3A_109, %get3A_110] {strides = array<i32>} : memref<32x384xf32, #tpu.memory_space<vmem>>, vector<1x16xf32>,
        %get3A_112 = vector.shape_cast %get3A_111 : vector<1x16xf32> to vector<16xf32>
        %add3A_113 = arith.addf %get3A_108, %get3A_112 : vector<16xf32>
        %swap3A = arith.index_cast %scan3A_105 : i32 to index
        %swap3A_114 = arith.constant 0 : index
        %swap3A_115 = tpu.vector_load %arg14[%swap3A, %swap3A_114] {strides = array<i32>} : memref<32x384xf32, #tpu.memory_space<vmem>>, vector<1x16xf32>,
        %swap3A_116 = vector.shape_cast %swap3A_115 : vector<1x16xf32> to vector<16xf32>
        %swap3A_117 = vector.shape_cast %add3A_113 : vector<16xf32> to vector<1x16xf32>
        tpu.vector_store %arg14[%swap3A, %swap3A_114], %swap3A_117 {strides = array<i32>} : memref<32x384xf32, #tpu.memory_space<vmem>>, vector<1x16xf32>,
        %get3A_118 = arith.index_cast %scan3A_105 : i32 to index
        %get3A_119 = arith.constant 16 : index
        %get3A_120 = tpu.vector_load %arg12[%get3A_118, %get3A_119] {strides = array<i32>} : memref<32x384xf32, #tpu.memory_space<vmem>>, vector<1x16xf32>,
        %get3A_121 = vector.shape_cast %get3A_120 : vector<1x16xf32> to vector<16xf32>
        %get3A_122 = arith.index_cast %scan3A_105 : i32 to index
        %get3A_123 = arith.constant 16 : index
        %get3A_124 = tpu.vector_load %arg10[%get3A_122, %get3A_123] {strides = array<i32>} : memref<32x384xf32, #tpu.memory_space<vmem>>, vector<1x16xf32>,
        %get3A_125 = vector.shape_cast %get3A_124 : vector<1x16xf32> to vector<16xf32>
        %add3A_126 = arith.addf %get3A_121, %get3A_125 : vector<16xf32>
        %swap3A_127 = arith.index_cast %scan3A_105 : i32 to index
        %swap3A_128 = arith.constant 16 : index
        %swap3A_129 = tpu.vector_load %arg14[%swap3A_127, %swap3A_128] {strides = array<i32>} : memref<32x384xf32, #tpu.memory_space<vmem>>, vector<1x16xf32>,
        %swap3A_130 = vector.shape_cast %swap3A_129 : vector<1x16xf32> to vector<16xf32>
        %swap3A_131 = vector.shape_cast %add3A_126 : vector<16xf32> to vector<1x16xf32>
        tpu.vector_store %arg14[%swap3A_127, %swap3A_128], %swap3A_131 {strides = array<i32>} : memref<32x384xf32, #tpu.memory_space<vmem>>, vector<1x16xf32>,
        %get3A_132 = arith.index_cast %scan3A_105 : i32 to index
        %get3A_133 = arith.constant 32 : index
        %get3A_134 = tpu.vector_load %arg12[%get3A_132, %get3A_133] {strides = array<i32>} : memref<32x384xf32, #tpu.memory_space<vmem>>, vector<1x16xf32>,
        %get3A_135 = vector.shape_cast %get3A_134 : vector<1x16xf32> to vector<16xf32>
        %get3A_136 = arith.index_cast %scan3A_105 : i32 to index
        %get3A_137 = arith.constant 32 : index
        %get3A_138 = tpu.vector_load %arg10[%get3A_136, %get3A_137] {strides = array<i32>} : memref<32x384xf32, #tpu.memory_space<vmem>>, vector<1x16xf32>,
        %get3A_139 = vector.shape_cast %get3A_138 : vector<1x16xf32> to vector<16xf32>
        %add3A_140 = arith.addf %get3A_135, %get3A_139 : vector<16xf32>
        %swap3A_141 = arith.index_cast %scan3A_105 : i32 to index
        %swap3A_142 = arith.constant 32 : index
        %swap3A_143 = tpu.vector_load %arg14[%swap3A_141, %swap3A_142] {strides = array<i32>} : memref<32x384xf32, #tpu.memory_space<vmem>>, vector<1x16xf32>,
        %swap3A_144 = vector.shape_cast %swap3A_143 : vector<1x16xf32> to vector<16xf32>
        %swap3A_145 = vector.shape_cast %add3A_140 : vector<16xf32> to vector<1x16xf32>
        tpu.vector_store %arg14[%swap3A_141, %swap3A_142], %swap3A_145 {strides = array<i32>} : memref<32x384xf32, #tpu.memory_space<vmem>>, vector<1x16xf32>,
        %get3A_146 = arith.index_cast %scan3A_105 : i32 to index
        %get3A_147 = arith.constant 48 : index
        %get3A_148 = tpu.vector_load %arg12[%get3A_146, %get3A_147] {strides = array<i32>} : memref<32x384xf32, #tpu.memory_space<vmem>>, vector<1x16xf32>,
        %get3A_149 = vector.shape_cast %get3A_148 : vector<1x16xf32> to vector<16xf32>
        %get3A_150 = arith.index_cast %scan3A_105 : i32 to index
        %get3A_151 = arith.constant 48 : index
        %get3A_152 = tpu.vector_load %arg10[%get3A_150, %get3A_151] {strides = array<i32>} : memref<32x384xf32, #tpu.memory_space<vmem>>, vector<1x16xf32>,
        %get3A_153 = vector.shape_cast %get3A_152 : vector<1x16xf32> to vector<16xf32>
        %add3A_154 = arith.addf %get3A_149, %get3A_153 : vector<16xf32>
        %swap3A_155 = arith.index_cast %scan3A_105 : i32 to index
        %swap3A_156 = arith.constant 48 : index
        %swap3A_157 = tpu.vector_load %arg14[%swap3A_155, %swap3A_156] {strides = array<i32>} : memref<32x384xf32, #tpu.memory_space<vmem>>, vector<1x16xf32>,
        %swap3A_158 = vector.shape_cast %swap3A_157 : vector<1x16xf32> to vector<16xf32>
        %swap3A_159 = vector.shape_cast %add3A_154 : vector<16xf32> to vector<1x16xf32>
        tpu.vector_store %arg14[%swap3A_155, %swap3A_156], %swap3A_159 {strides = array<i32>} : memref<32x384xf32, #tpu.memory_space<vmem>>, vector<1x16xf32>,
        %get3A_160 = arith.index_cast %scan3A_105 : i32 to index
        %get3A_161 = arith.constant 64 : index
        %get3A_162 = tpu.vector_load %arg12[%get3A_160, %get3A_161] {strides = array<i32>} : memref<32x384xf32, #tpu.memory_space<vmem>>, vector<1x16xf32>,
        %get3A_163 = vector.shape_cast %get3A_162 : vector<1x16xf32> to vector<16xf32>
        %get3A_164 = arith.index_cast %scan3A_105 : i32 to index
        %get3A_165 = arith.constant 64 : index
        %get3A_166 = tpu.vector_load %arg10[%get3A_164, %get3A_165] {strides = array<i32>} : memref<32x384xf32, #tpu.memory_space<vmem>>, vector<1x16xf32>,
        %get3A_167 = vector.shape_cast %get3A_166 : vector<1x16xf32> to vector<16xf32>
        %add3A_168 = arith.addf %get3A_163, %get3A_167 : vector<16xf32>
        %swap3A_169 = arith.index_cast %scan3A_105 : i32 to index
        %swap3A_170 = arith.constant 64 : index
        %swap3A_171 = tpu.vector_load %arg14[%swap3A_169, %swap3A_170] {strides = array<i32>} : memref<32x384xf32, #tpu.memory_space<vmem>>, vector<1x16xf32>,
        %swap3A_172 = vector.shape_cast %swap3A_171 : vector<1x16xf32> to vector<16xf32>
        %swap3A_173 = vector.shape_cast %add3A_168 : vector<16xf32> to vector<1x16xf32>
        tpu.vector_store %arg14[%swap3A_169, %swap3A_170], %swap3A_173 {strides = array<i32>} : memref<32x384xf32, #tpu.memory_space<vmem>>, vector<1x16xf32>,
        %get3A_174 = arith.index_cast %scan3A_105 : i32 to index
        %get3A_175 = arith.constant 80 : index
        %get3A_176 = tpu.vector_load %arg12[%get3A_174, %get3A_175] {strides = array<i32>} : memref<32x384xf32, #tpu.memory_space<vmem>>, vector<1x16xf32>,
        %get3A_177 = vector.shape_cast %get3A_176 : vector<1x16xf32> to vector<16xf32>
        %get3A_178 = arith.index_cast %scan3A_105 : i32 to index
        %get3A_179 = arith.constant 80 : index
        %get3A_180 = tpu.vector_load %arg10[%get3A_178, %get3A_179] {strides = array<i32>} : memref<32x384xf32, #tpu.memory_space<vmem>>, vector<1x16xf32>,
        %get3A_181 = vector.shape_cast %get3A_180 : vector<1x16xf32> to vector<16xf32>
        %add3A_182 = arith.addf %get3A_177, %get3A_181 : vector<16xf32>
        %swap3A_183 = arith.index_cast %scan3A_105 : i32 to index
        %swap3A_184 = arith.constant 80 : index
        %swap3A_185 = tpu.vector_load %arg14[%swap3A_183, %swap3A_184] {strides = array<i32>} : memref<32x384xf32, #tpu.memory_space<vmem>>, vector<1x16xf32>,
        %swap3A_186 = vector.shape_cast %swap3A_185 : vector<1x16xf32> to vector<16xf32>
        %swap3A_187 = vector.shape_cast %add3A_182 : vector<16xf32> to vector<1x16xf32>
        tpu.vector_store %arg14[%swap3A_183, %swap3A_184], %swap3A_187 {strides = array<i32>} : memref<32x384xf32, #tpu.memory_space<vmem>>, vector<1x16xf32>,
        %get3A_188 = arith.index_cast %scan3A_105 : i32 to index
        %get3A_189 = arith.constant 96 : index
        %get3A_190 = tpu.vector_load %arg12[%get3A_188, %get3A_189] {strides = array<i32>} : memref<32x384xf32, #tpu.memory_space<vmem>>, vector<1x16xf32>,
        %get3A_191 = vector.shape_cast %get3A_190 : vector<1x16xf32> to vector<16xf32>
        %get3A_192 = arith.index_cast %scan3A_105 : i32 to index
        %get3A_193 = arith.constant 96 : index
        %get3A_194 = tpu.vector_load %arg10[%get3A_192, %get3A_193] {strides = array<i32>} : memref<32x384xf32, #tpu.memory_space<vmem>>, vector<1x16xf32>,
        %get3A_195 = vector.shape_cast %get3A_194 : vector<1x16xf32> to vector<16xf32>
        %add3A_196 = arith.addf %get3A_191, %get3A_195 : vector<16xf32>
        %swap3A_197 = arith.index_cast %scan3A_105 : i32 to index
        %swap3A_198 = arith.constant 96 : index
        %swap3A_199 = tpu.vector_load %arg14[%swap3A_197, %swap3A_198] {strides = array<i32>} : memref<32x384xf32, #tpu.memory_space<vmem>>, vector<1x16xf32>,
        %swap3A_200 = vector.shape_cast %swap3A_199 : vector<1x16xf32> to vector<16xf32>
        %swap3A_201 = vector.shape_cast %add3A_196 : vector<16xf32> to vector<1x16xf32>
        tpu.vector_store %arg14[%swap3A_197, %swap3A_198], %swap3A_201 {strides = array<i32>} : memref<32x384xf32, #tpu.memory_space<vmem>>, vector<1x16xf32>,
        %get3A_202 = arith.index_cast %scan3A_105 : i32 to index
        %get3A_203 = arith.constant 112 : index
        %get3A_204 = tpu.vector_load %arg12[%get3A_202, %get3A_203] {strides = array<i32>} : memref<32x384xf32, #tpu.memory_space<vmem>>, vector<1x16xf32>,
        %get3A_205 = vector.shape_cast %get3A_204 : vector<1x16xf32> to vector<16xf32>
        %get3A_206 = arith.index_cast %scan3A_105 : i32 to index
        %get3A_207 = arith.constant 112 : index
        %get3A_208 = tpu.vector_load %arg10[%get3A_206, %get3A_207] {strides = array<i32>} : memref<32x384xf32, #tpu.memory_space<vmem>>, vector<1x16xf32>,
        %get3A_209 = vector.shape_cast %get3A_208 : vector<1x16xf32> to vector<16xf32>
        %add3A_210 = arith.addf %get3A_205, %get3A_209 : vector<16xf32>
        %swap3A_211 = arith.index_cast %scan3A_105 : i32 to index
        %swap3A_212 = arith.constant 112 : index
        %swap3A_213 = tpu.vector_load %arg14[%swap3A_211, %swap3A_212] {strides = array<i32>} : memref<32x384xf32, #tpu.memory_space<vmem>>, vector<1x16xf32>,
        %swap3A_214 = vector.shape_cast %swap3A_213 : vector<1x16xf32> to vector<16xf32>
        %swap3A_215 = vector.shape_cast %add3A_210 : vector<16xf32> to vector<1x16xf32>
        tpu.vector_store %arg14[%swap3A_211, %swap3A_212], %swap3A_215 {strides = array<i32>} : memref<32x384xf32, #tpu.memory_space<vmem>>, vector<1x16xf32>,
        %get3A_216 = arith.index_cast %scan3A_105 : i32 to index
        %get3A_217 = arith.constant 128 : index
        %get3A_218 = tpu.vector_load %arg12[%get3A_216, %get3A_217] {strides = array<i32>} : memref<32x384xf32, #tpu.memory_space<vmem>>, vector<1x16xf32>,
        %get3A_219 = vector.shape_cast %get3A_218 : vector<1x16xf32> to vector<16xf32>
        %get3A_220 = arith.index_cast %scan3A_105 : i32 to index
        %get3A_221 = arith.constant 128 : index
        %get3A_222 = tpu.vector_load %arg10[%get3A_220, %get3A_221] {strides = array<i32>} : memref<32x384xf32, #tpu.memory_space<vmem>>, vector<1x16xf32>,
        %get3A_223 = vector.shape_cast %get3A_222 : vector<1x16xf32> to vector<16xf32>
        %add3A_224 = arith.addf %get3A_219, %get3A_223 : vector<16xf32>
        %swap3A_225 = arith.index_cast %scan3A_105 : i32 to index
        %swap3A_226 = arith.constant 128 : index
        %swap3A_227 = tpu.vector_load %arg14[%swap3A_225, %swap3A_226] {strides = array<i32>} : memref<32x384xf32, #tpu.memory_space<vmem>>, vector<1x16xf32>,
        %swap3A_228 = vector.shape_cast %swap3A_227 : vector<1x16xf32> to vector<16xf32>
        %swap3A_229 = vector.shape_cast %add3A_224 : vector<16xf32> to vector<1x16xf32>
        tpu.vector_store %arg14[%swap3A_225, %swap3A_226], %swap3A_229 {strides = array<i32>} : memref<32x384xf32, #tpu.memory_space<vmem>>, vector<1x16xf32>,
        %get3A_230 = arith.index_cast %scan3A_105 : i32 to index
        %get3A_231 = arith.constant 144 : index
        %get3A_232 = tpu.vector_load %arg12[%get3A_230, %get3A_231] {strides = array<i32>} : memref<32x384xf32, #tpu.memory_space<vmem>>, vector<1x16xf32>,
        %get3A_233 = vector.shape_cast %get3A_232 : vector<1x16xf32> to vector<16xf32>
        %get3A_234 = arith.index_cast %scan3A_105 : i32 to index
        %get3A_235 = arith.constant 144 : index
        %get3A_236 = tpu.vector_load %arg10[%get3A_234, %get3A_235] {strides = array<i32>} : memref<32x384xf32, #tpu.memory_space<vmem>>, vector<1x16xf32>,
        %get3A_237 = vector.shape_cast %get3A_236 : vector<1x16xf32> to vector<16xf32>
        %add3A_238 = arith.addf %get3A_233, %get3A_237 : vector<16xf32>
        %swap3A_239 = arith.index_cast %scan3A_105 : i32 to index
        %swap3A_240 = arith.constant 144 : index
        %swap3A_241 = tpu.vector_load %arg14[%swap3A_239, %swap3A_240] {strides = array<i32>} : memref<32x384xf32, #tpu.memory_space<vmem>>, vector<1x16xf32>,
        %swap3A_242 = vector.shape_cast %swap3A_241 : vector<1x16xf32> to vector<16xf32>
        %swap3A_243 = vector.shape_cast %add3A_238 : vector<16xf32> to vector<1x16xf32>
        tpu.vector_store %arg14[%swap3A_239, %swap3A_240], %swap3A_243 {strides = array<i32>} : memref<32x384xf32, #tpu.memory_space<vmem>>, vector<1x16xf32>,
        %get3A_244 = arith.index_cast %scan3A_105 : i32 to index
        %get3A_245 = arith.constant 160 : index
        %get3A_246 = tpu.vector_load %arg12[%get3A_244, %get3A_245] {strides = array<i32>} : memref<32x384xf32, #tpu.memory_space<vmem>>, vector<1x16xf32>,
        %get3A_247 = vector.shape_cast %get3A_246 : vector<1x16xf32> to vector<16xf32>
        %get3A_248 = arith.index_cast %scan3A_105 : i32 to index
        %get3A_249 = arith.constant 160 : index
        %get3A_250 = tpu.vector_load %arg10[%get3A_248, %get3A_249] {strides = array<i32>} : memref<32x384xf32, #tpu.memory_space<vmem>>, vector<1x16xf32>,
        %get3A_251 = vector.shape_cast %get3A_250 : vector<1x16xf32> to vector<16xf32>
        %add3A_252 = arith.addf %get3A_247, %get3A_251 : vector<16xf32>
        %swap3A_253 = arith.index_cast %scan3A_105 : i32 to index
        %swap3A_254 = arith.constant 160 : index
        %swap3A_255 = tpu.vector_load %arg14[%swap3A_253, %swap3A_254] {strides = array<i32>} : memref<32x384xf32, #tpu.memory_space<vmem>>, vector<1x16xf32>,
        %swap3A_256 = vector.shape_cast %swap3A_255 : vector<1x16xf32> to vector<16xf32>
        %swap3A_257 = vector.shape_cast %add3A_252 : vector<16xf32> to vector<1x16xf32>
        tpu.vector_store %arg14[%swap3A_253, %swap3A_254], %swap3A_257 {strides = array<i32>} : memref<32x384xf32, #tpu.memory_space<vmem>>, vector<1x16xf32>,
        %get3A_258 = arith.index_cast %scan3A_105 : i32 to index
        %get3A_259 = arith.constant 176 : index
        %get3A_260 = tpu.vector_load %arg12[%get3A_258, %get3A_259] {strides = array<i32>} : memref<32x384xf32, #tpu.memory_space<vmem>>, vector<1x16xf32>,
        %get3A_261 = vector.shape_cast %get3A_260 : vector<1x16xf32> to vector<16xf32>
        %get3A_262 = arith.index_cast %scan3A_105 : i32 to index
        %get3A_263 = arith.constant 176 : index
        %get3A_264 = tpu.vector_load %arg10[%get3A_262, %get3A_263] {strides = array<i32>} : memref<32x384xf32, #tpu.memory_space<vmem>>, vector<1x16xf32>,
        %get3A_265 = vector.shape_cast %get3A_264 : vector<1x16xf32> to vector<16xf32>
        %add3A_266 = arith.addf %get3A_261, %get3A_265 : vector<16xf32>
        %swap3A_267 = arith.index_cast %scan3A_105 : i32 to index
        %swap3A_268 = arith.constant 176 : index
        %swap3A_269 = tpu.vector_load %arg14[%swap3A_267, %swap3A_268] {strides = array<i32>} : memref<32x384xf32, #tpu.memory_space<vmem>>, vector<1x16xf32>,
        %swap3A_270 = vector.shape_cast %swap3A_269 : vector<1x16xf32> to vector<16xf32>
        %swap3A_271 = vector.shape_cast %add3A_266 : vector<16xf32> to vector<1x16xf32>
        tpu.vector_store %arg14[%swap3A_267, %swap3A_268], %swap3A_271 {strides = array<i32>} : memref<32x384xf32, #tpu.memory_space<vmem>>, vector<1x16xf32>,
        %get3A_272 = arith.index_cast %scan3A_105 : i32 to index
        %get3A_273 = arith.constant 192 : index
        %get3A_274 = tpu.vector_load %arg12[%get3A_272, %get3A_273] {strides = array<i32>} : memref<32x384xf32, #tpu.memory_space<vmem>>, vector<1x16xf32>,
        %get3A_275 = vector.shape_cast %get3A_274 : vector<1x16xf32> to vector<16xf32>
        %get3A_276 = arith.index_cast %scan3A_105 : i32 to index
        %get3A_277 = arith.constant 192 : index
        %get3A_278 = tpu.vector_load %arg10[%get3A_276, %get3A_277] {strides = array<i32>} : memref<32x384xf32, #tpu.memory_space<vmem>>, vector<1x16xf32>,
        %get3A_279 = vector.shape_cast %get3A_278 : vector<1x16xf32> to vector<16xf32>
        %add3A_280 = arith.addf %get3A_275, %get3A_279 : vector<16xf32>
        %swap3A_281 = arith.index_cast %scan3A_105 : i32 to index
        %swap3A_282 = arith.constant 192 : index
        %swap3A_283 = tpu.vector_load %arg14[%swap3A_281, %swap3A_282] {strides = array<i32>} : memref<32x384xf32, #tpu.memory_space<vmem>>, vector<1x16xf32>,
        %swap3A_284 = vector.shape_cast %swap3A_283 : vector<1x16xf32> to vector<16xf32>
        %swap3A_285 = vector.shape_cast %add3A_280 : vector<16xf32> to vector<1x16xf32>
        tpu.vector_store %arg14[%swap3A_281, %swap3A_282], %swap3A_285 {strides = array<i32>} : memref<32x384xf32, #tpu.memory_space<vmem>>, vector<1x16xf32>,
        %get3A_286 = arith.index_cast %scan3A_105 : i32 to index
        %get3A_287 = arith.constant 208 : index
        %get3A_288 = tpu.vector_load %arg12[%get3A_286, %get3A_287] {strides = array<i32>} : memref<32x384xf32, #tpu.memory_space<vmem>>, vector<1x16xf32>,
        %get3A_289 = vector.shape_cast %get3A_288 : vector<1x16xf32> to vector<16xf32>
        %get3A_290 = arith.index_cast %scan3A_105 : i32 to index
        %get3A_291 = arith.constant 208 : index
        %get3A_292 = tpu.vector_load %arg10[%get3A_290, %get3A_291] {strides = array<i32>} : memref<32x384xf32, #tpu.memory_space<vmem>>, vector<1x16xf32>,
        %get3A_293 = vector.shape_cast %get3A_292 : vector<1x16xf32> to vector<16xf32>
        %add3A_294 = arith.addf %get3A_289, %get3A_293 : vector<16xf32>
        %swap3A_295 = arith.index_cast %scan3A_105 : i32 to index
        %swap3A_296 = arith.constant 208 : index
        %swap3A_297 = tpu.vector_load %arg14[%swap3A_295, %swap3A_296] {strides = array<i32>} : memref<32x384xf32, #tpu.memory_space<vmem>>, vector<1x16xf32>,
        %swap3A_298 = vector.shape_cast %swap3A_297 : vector<1x16xf32> to vector<16xf32>
        %swap3A_299 = vector.shape_cast %add3A_294 : vector<16xf32> to vector<1x16xf32>
        tpu.vector_store %arg14[%swap3A_295, %swap3A_296], %swap3A_299 {strides = array<i32>} : memref<32x384xf32, #tpu.memory_space<vmem>>, vector<1x16xf32>,
        %get3A_300 = arith.index_cast %scan3A_105 : i32 to index
        %get3A_301 = arith.constant 224 : index
        %get3A_302 = tpu.vector_load %arg12[%get3A_300, %get3A_301] {strides = array<i32>} : memref<32x384xf32, #tpu.memory_space<vmem>>, vector<1x16xf32>,
        %get3A_303 = vector.shape_cast %get3A_302 : vector<1x16xf32> to vector<16xf32>
        %get3A_304 = arith.index_cast %scan3A_105 : i32 to index
        %get3A_305 = arith.constant 224 : index
        %get3A_306 = tpu.vector_load %arg10[%get3A_304, %get3A_305] {strides = array<i32>} : memref<32x384xf32, #tpu.memory_space<vmem>>, vector<1x16xf32>,
        %get3A_307 = vector.shape_cast %get3A_306 : vector<1x16xf32> to vector<16xf32>
        %add3A_308 = arith.addf %get3A_303, %get3A_307 : vector<16xf32>
        %swap3A_309 = arith.index_cast %scan3A_105 : i32 to index
        %swap3A_310 = arith.constant 224 : index
        %swap3A_311 = tpu.vector_load %arg14[%swap3A_309, %swap3A_310] {strides = array<i32>} : memref<32x384xf32, #tpu.memory_space<vmem>>, vector<1x16xf32>,
        %swap3A_312 = vector.shape_cast %swap3A_311 : vector<1x16xf32> to vector<16xf32>
        %swap3A_313 = vector.shape_cast %add3A_308 : vector<16xf32> to vector<1x16xf32>
        tpu.vector_store %arg14[%swap3A_309, %swap3A_310], %swap3A_313 {strides = array<i32>} : memref<32x384xf32, #tpu.memory_space<vmem>>, vector<1x16xf32>,
        %get3A_314 = arith.index_cast %scan3A_105 : i32 to index
        %get3A_315 = arith.constant 240 : index
        %get3A_316 = tpu.vector_load %arg12[%get3A_314, %get3A_315] {strides = array<i32>} : memref<32x384xf32, #tpu.memory_space<vmem>>, vector<1x16xf32>,
        %get3A_317 = vector.shape_cast %get3A_316 : vector<1x16xf32> to vector<16xf32>
        %get3A_318 = arith.index_cast %scan3A_105 : i32 to index
        %get3A_319 = arith.constant 240 : index
        %get3A_320 = tpu.vector_load %arg10[%get3A_318, %get3A_319] {strides = array<i32>} : memref<32x384xf32, #tpu.memory_space<vmem>>, vector<1x16xf32>,
        %get3A_321 = vector.shape_cast %get3A_320 : vector<1x16xf32> to vector<16xf32>
        %add3A_322 = arith.addf %get3A_317, %get3A_321 : vector<16xf32>
        %swap3A_323 = arith.index_cast %scan3A_105 : i32 to index
        %swap3A_324 = arith.constant 240 : index
        %swap3A_325 = tpu.vector_load %arg14[%swap3A_323, %swap3A_324] {strides = array<i32>} : memref<32x384xf32, #tpu.memory_space<vmem>>, vector<1x16xf32>,
        %swap3A_326 = vector.shape_cast %swap3A_325 : vector<1x16xf32> to vector<16xf32>
        %swap3A_327 = vector.shape_cast %add3A_322 : vector<16xf32> to vector<1x16xf32>
        tpu.vector_store %arg14[%swap3A_323, %swap3A_324], %swap3A_327 {strides = array<i32>} : memref<32x384xf32, #tpu.memory_space<vmem>>, vector<1x16xf32>,
        %get3A_328 = arith.index_cast %scan3A_105 : i32 to index
        %get3A_329 = arith.constant 256 : index
        %get3A_330 = tpu.vector_load %arg12[%get3A_328, %get3A_329] {strides = array<i32>} : memref<32x384xf32, #tpu.memory_space<vmem>>, vector<1x16xf32>,
        %get3A_331 = vector.shape_cast %get3A_330 : vector<1x16xf32> to vector<16xf32>
        %get3A_332 = arith.index_cast %scan3A_105 : i32 to index
        %get3A_333 = arith.constant 256 : index
        %get3A_334 = tpu.vector_load %arg10[%get3A_332, %get3A_333] {strides = array<i32>} : memref<32x384xf32, #tpu.memory_space<vmem>>, vector<1x16xf32>,
        %get3A_335 = vector.shape_cast %get3A_334 : vector<1x16xf32> to vector<16xf32>
        %add3A_336 = arith.addf %get3A_331, %get3A_335 : vector<16xf32>
        %swap3A_337 = arith.index_cast %scan3A_105 : i32 to index
        %swap3A_338 = arith.constant 256 : index
        %swap3A_339 = tpu.vector_load %arg14[%swap3A_337, %swap3A_338] {strides = array<i32>} : memref<32x384xf32, #tpu.memory_space<vmem>>, vector<1x16xf32>,
        %swap3A_340 = vector.shape_cast %swap3A_339 : vector<1x16xf32> to vector<16xf32>
        %swap3A_341 = vector.shape_cast %add3A_336 : vector<16xf32> to vector<1x16xf32>
        tpu.vector_store %arg14[%swap3A_337, %swap3A_338], %swap3A_341 {strides = array<i32>} : memref<32x384xf32, #tpu.memory_space<vmem>>, vector<1x16xf32>,
        %get3A_342 = arith.index_cast %scan3A_105 : i32 to index
        %get3A_343 = arith.constant 272 : index
        %get3A_344 = tpu.vector_load %arg12[%get3A_342, %get3A_343] {strides = array<i32>} : memref<32x384xf32, #tpu.memory_space<vmem>>, vector<1x16xf32>,
        %get3A_345 = vector.shape_cast %get3A_344 : vector<1x16xf32> to vector<16xf32>
        %get3A_346 = arith.index_cast %scan3A_105 : i32 to index
        %get3A_347 = arith.constant 272 : index
        %get3A_348 = tpu.vector_load %arg10[%get3A_346, %get3A_347] {strides = array<i32>} : memref<32x384xf32, #tpu.memory_space<vmem>>, vector<1x16xf32>,
        %get3A_349 = vector.shape_cast %get3A_348 : vector<1x16xf32> to vector<16xf32>
        %add3A_350 = arith.addf %get3A_345, %get3A_349 : vector<16xf32>
        %swap3A_351 = arith.index_cast %scan3A_105 : i32 to index
        %swap3A_352 = arith.constant 272 : index
        %swap3A_353 = tpu.vector_load %arg14[%swap3A_351, %swap3A_352] {strides = array<i32>} : memref<32x384xf32, #tpu.memory_space<vmem>>, vector<1x16xf32>,
        %swap3A_354 = vector.shape_cast %swap3A_353 : vector<1x16xf32> to vector<16xf32>
        %swap3A_355 = vector.shape_cast %add3A_350 : vector<16xf32> to vector<1x16xf32>
        tpu.vector_store %arg14[%swap3A_351, %swap3A_352], %swap3A_355 {strides = array<i32>} : memref<32x384xf32, #tpu.memory_space<vmem>>, vector<1x16xf32>,
        %get3A_356 = arith.index_cast %scan3A_105 : i32 to index
        %get3A_357 = arith.constant 288 : index
        %get3A_358 = tpu.vector_load %arg12[%get3A_356, %get3A_357] {strides = array<i32>} : memref<32x384xf32, #tpu.memory_space<vmem>>, vector<1x16xf32>,
        %get3A_359 = vector.shape_cast %get3A_358 : vector<1x16xf32> to vector<16xf32>
        %get3A_360 = arith.index_cast %scan3A_105 : i32 to index
        %get3A_361 = arith.constant 288 : index
        %get3A_362 = tpu.vector_load %arg10[%get3A_360, %get3A_361] {strides = array<i32>} : memref<32x384xf32, #tpu.memory_space<vmem>>, vector<1x16xf32>,
        %get3A_363 = vector.shape_cast %get3A_362 : vector<1x16xf32> to vector<16xf32>
        %add3A_364 = arith.addf %get3A_359, %get3A_363 : vector<16xf32>
        %swap3A_365 = arith.index_cast %scan3A_105 : i32 to index
        %swap3A_366 = arith.constant 288 : index
        %swap3A_367 = tpu.vector_load %arg14[%swap3A_365, %swap3A_366] {strides = array<i32>} : memref<32x384xf32, #tpu.memory_space<vmem>>, vector<1x16xf32>,
        %swap3A_368 = vector.shape_cast %swap3A_367 : vector<1x16xf32> to vector<16xf32>
        %swap3A_369 = vector.shape_cast %add3A_364 : vector<16xf32> to vector<1x16xf32>
        tpu.vector_store %arg14[%swap3A_365, %swap3A_366], %swap3A_369 {strides = array<i32>} : memref<32x384xf32, #tpu.memory_space<vmem>>, vector<1x16xf32>,
        %get3A_370 = arith.index_cast %scan3A_105 : i32 to index
        %get3A_371 = arith.constant 304 : index
        %get3A_372 = tpu.vector_load %arg12[%get3A_370, %get3A_371] {strides = array<i32>} : memref<32x384xf32, #tpu.memory_space<vmem>>, vector<1x16xf32>,
        %get3A_373 = vector.shape_cast %get3A_372 : vector<1x16xf32> to vector<16xf32>
        %get3A_374 = arith.index_cast %scan3A_105 : i32 to index
        %get3A_375 = arith.constant 304 : index
        %get3A_376 = tpu.vector_load %arg10[%get3A_374, %get3A_375] {strides = array<i32>} : memref<32x384xf32, #tpu.memory_space<vmem>>, vector<1x16xf32>,
        %get3A_377 = vector.shape_cast %get3A_376 : vector<1x16xf32> to vector<16xf32>
        %add3A_378 = arith.addf %get3A_373, %get3A_377 : vector<16xf32>
        %swap3A_379 = arith.index_cast %scan3A_105 : i32 to index
        %swap3A_380 = arith.constant 304 : index
        %swap3A_381 = tpu.vector_load %arg14[%swap3A_379, %swap3A_380] {strides = array<i32>} : memref<32x384xf32, #tpu.memory_space<vmem>>, vector<1x16xf32>,
        %swap3A_382 = vector.shape_cast %swap3A_381 : vector<1x16xf32> to vector<16xf32>
        %swap3A_383 = vector.shape_cast %add3A_378 : vector<16xf32> to vector<1x16xf32>
        tpu.vector_store %arg14[%swap3A_379, %swap3A_380], %swap3A_383 {strides = array<i32>} : memref<32x384xf32, #tpu.memory_space<vmem>>, vector<1x16xf32>,
        %get3A_384 = arith.index_cast %scan3A_105 : i32 to index
        %get3A_385 = arith.constant 320 : index
        %get3A_386 = tpu.vector_load %arg12[%get3A_384, %get3A_385] {strides = array<i32>} : memref<32x384xf32, #tpu.memory_space<vmem>>, vector<1x16xf32>,
        %get3A_387 = vector.shape_cast %get3A_386 : vector<1x16xf32> to vector<16xf32>
        %get3A_388 = arith.index_cast %scan3A_105 : i32 to index
        %get3A_389 = arith.constant 320 : index
        %get3A_390 = tpu.vector_load %arg10[%get3A_388, %get3A_389] {strides = array<i32>} : memref<32x384xf32, #tpu.memory_space<vmem>>, vector<1x16xf32>,
        %get3A_391 = vector.shape_cast %get3A_390 : vector<1x16xf32> to vector<16xf32>
        %add3A_392 = arith.addf %get3A_387, %get3A_391 : vector<16xf32>
        %swap3A_393 = arith.index_cast %scan3A_105 : i32 to index
        %swap3A_394 = arith.constant 320 : index
        %swap3A_395 = tpu.vector_load %arg14[%swap3A_393, %swap3A_394] {strides = array<i32>} : memref<32x384xf32, #tpu.memory_space<vmem>>, vector<1x16xf32>,
        %swap3A_396 = vector.shape_cast %swap3A_395 : vector<1x16xf32> to vector<16xf32>
        %swap3A_397 = vector.shape_cast %add3A_392 : vector<16xf32> to vector<1x16xf32>
        tpu.vector_store %arg14[%swap3A_393, %swap3A_394], %swap3A_397 {strides = array<i32>} : memref<32x384xf32, #tpu.memory_space<vmem>>, vector<1x16xf32>,
        %get3A_398 = arith.index_cast %scan3A_105 : i32 to index
        %get3A_399 = arith.constant 336 : index
        %get3A_400 = tpu.vector_load %arg12[%get3A_398, %get3A_399] {strides = array<i32>} : memref<32x384xf32, #tpu.memory_space<vmem>>, vector<1x16xf32>,
        %get3A_401 = vector.shape_cast %get3A_400 : vector<1x16xf32> to vector<16xf32>
        %get3A_402 = arith.index_cast %scan3A_105 : i32 to index
        %get3A_403 = arith.constant 336 : index
        %get3A_404 = tpu.vector_load %arg10[%get3A_402, %get3A_403] {strides = array<i32>} : memref<32x384xf32, #tpu.memory_space<vmem>>, vector<1x16xf32>,
        %get3A_405 = vector.shape_cast %get3A_404 : vector<1x16xf32> to vector<16xf32>
        %add3A_406 = arith.addf %get3A_401, %get3A_405 : vector<16xf32>
        %swap3A_407 = arith.index_cast %scan3A_105 : i32 to index
        %swap3A_408 = arith.constant 336 : index
        %swap3A_409 = tpu.vector_load %arg14[%swap3A_407, %swap3A_408] {strides = array<i32>} : memref<32x384xf32, #tpu.memory_space<vmem>>, vector<1x16xf32>,
        %swap3A_410 = vector.shape_cast %swap3A_409 : vector<1x16xf32> to vector<16xf32>
        %swap3A_411 = vector.shape_cast %add3A_406 : vector<16xf32> to vector<1x16xf32>
        tpu.vector_store %arg14[%swap3A_407, %swap3A_408], %swap3A_411 {strides = array<i32>} : memref<32x384xf32, #tpu.memory_space<vmem>>, vector<1x16xf32>,
        %get3A_412 = arith.index_cast %scan3A_105 : i32 to index
        %get3A_413 = arith.constant 352 : index
        %get3A_414 = tpu.vector_load %arg12[%get3A_412, %get3A_413] {strides = array<i32>} : memref<32x384xf32, #tpu.memory_space<vmem>>, vector<1x16xf32>,
        %get3A_415 = vector.shape_cast %get3A_414 : vector<1x16xf32> to vector<16xf32>
        %get3A_416 = arith.index_cast %scan3A_105 : i32 to index
        %get3A_417 = arith.constant 352 : index
        %get3A_418 = tpu.vector_load %arg10[%get3A_416, %get3A_417] {strides = array<i32>} : memref<32x384xf32, #tpu.memory_space<vmem>>, vector<1x16xf32>,
        %get3A_419 = vector.shape_cast %get3A_418 : vector<1x16xf32> to vector<16xf32>
        %add3A_420 = arith.addf %get3A_415, %get3A_419 : vector<16xf32>
        %swap3A_421 = arith.index_cast %scan3A_105 : i32 to index
        %swap3A_422 = arith.constant 352 : index
        %swap3A_423 = tpu.vector_load %arg14[%swap3A_421, %swap3A_422] {strides = array<i32>} : memref<32x384xf32, #tpu.memory_space<vmem>>, vector<1x16xf32>,
        %swap3A_424 = vector.shape_cast %swap3A_423 : vector<1x16xf32> to vector<16xf32>
        %swap3A_425 = vector.shape_cast %add3A_420 : vector<16xf32> to vector<1x16xf32>
        tpu.vector_store %arg14[%swap3A_421, %swap3A_422], %swap3A_425 {strides = array<i32>} : memref<32x384xf32, #tpu.memory_space<vmem>>, vector<1x16xf32>,
        %get3A_426 = arith.index_cast %scan3A_105 : i32 to index
        %get3A_427 = arith.constant 368 : index
        %get3A_428 = tpu.vector_load %arg12[%get3A_426, %get3A_427] {strides = array<i32>} : memref<32x384xf32, #tpu.memory_space<vmem>>, vector<1x16xf32>,
        %get3A_429 = vector.shape_cast %get3A_428 : vector<1x16xf32> to vector<16xf32>
        %get3A_430 = arith.index_cast %scan3A_105 : i32 to index
        %get3A_431 = arith.constant 368 : index
        %get3A_432 = tpu.vector_load %arg10[%get3A_430, %get3A_431] {strides = array<i32>} : memref<32x384xf32, #tpu.memory_space<vmem>>, vector<1x16xf32>,
        %get3A_433 = vector.shape_cast %get3A_432 : vector<1x16xf32> to vector<16xf32>
        %add3A_434 = arith.addf %get3A_429, %get3A_433 : vector<16xf32>
        %swap3A_435 = arith.index_cast %scan3A_105 : i32 to index
        %swap3A_436 = arith.constant 368 : index
        %swap3A_437 = tpu.vector_load %arg14[%swap3A_435, %swap3A_436] {strides = array<i32>} : memref<32x384xf32, #tpu.memory_space<vmem>>, vector<1x16xf32>,
        %swap3A_438 = vector.shape_cast %swap3A_437 : vector<1x16xf32> to vector<16xf32>
        %swap3A_439 = vector.shape_cast %add3A_434 : vector<16xf32> to vector<1x16xf32>
        tpu.vector_store %arg14[%swap3A_435, %swap3A_436], %swap3A_439 {strides = array<i32>} : memref<32x384xf32, #tpu.memory_space<vmem>>, vector<1x16xf32>,
      }
      %scan3A_61 = arith.constant 32 : i32
      %dma_start3A_62 = arith.constant 0 : i32
      %dma_start3A_63 = tpu.memref_slice %arg7[%add3A_49, %dma_start3A_62] : memref<65536x384xf32, #tpu.memory_space<hbm>> -> memref<32x384xf32, #tpu.memory_space<hbm>>
      %dma_start3A_64 = arith.constant 0 : i32
      %dma_start3A_65 = tpu.memref_slice %arg7[%add3A_49, %dma_start3A_64] : memref<65536x384xf32, #tpu.memory_space<hbm>> -> memref<32x384xf32, #tpu.memory_space<hbm>>
      tpu.enqueue_dma source(%arg14 : memref<32x384xf32, #tpu.memory_space<vmem>>) target(%dma_start3A_65 : memref<32x384xf32, #tpu.memory_space<hbm>>) target_semaphore(%arg20 : memref<!tpu.dma_semaphore, #tpu.memory_space<semaphore_mem>>)
      %add3A_66 = arith.constant 2 : i32
      %add3A_67 = arith.addi %add3A_46, %add3A_66 : i32
      %lt3A = arith.constant 64 : i32
      %lt3A_68 = arith.cmpi slt, %add3A_67, %lt3A : i32
      %convert_element_type3A_69 = arith.extui %lt3A_68 : i1 to i32
      %cond3A_70 = arith.constant 0 : i32
      %cond3A_71 = arith.cmpi ne, %convert_element_type3A_69, %cond3A_70 : i32
      scf.if %cond3A_71 {
        %add3A_105 = arith.constant 2 : i32
        %add3A_106 = arith.addi %add3A_46, %add3A_105 : i32
        %mul3A_107 = arith.constant 1024 : i32
        %mul3A_108 = arith.muli %add3A_106, %mul3A_107 : i32
        %add3A_109 = arith.addi %mul3A_108, %mul3A_2 : i32
        %dma_start3A_110 = arith.constant 0 : i32
        %dma_start3A_111 = tpu.memref_slice %arg2[%add3A_109, %dma_start3A_110] : memref<65536x384xf32, #tpu.memory_space<hbm>> -> memref<32x384xf32, #tpu.memory_space<hbm>>
        %dma_start3A_112 = arith.constant 0 : i32
        %dma_start3A_113 = tpu.memref_slice %arg2[%add3A_109, %dma_start3A_112] : memref<65536x384xf32, #tpu.memory_space<hbm>> -> memref<32x384xf32, #tpu.memory_space<hbm>>
        tpu.enqueue_dma source(%dma_start3A_113 : memref<32x384xf32, #tpu.memory_space<hbm>>) target(%arg12 : memref<32x384xf32, #tpu.memory_space<vmem>>) target_semaphore(%arg18 : memref<!tpu.dma_semaphore, #tpu.memory_space<semaphore_mem>>)
      } else {
      }
      %mul3A_72 = arith.constant 2 : i32
      %mul3A_73 = arith.muli %mul3A_72, %scan3A_42 : i32
      %add3A_74 = arith.constant 1 : i32
      %add3A_75 = arith.addi %mul3A_73, %add3A_74 : i32
      %mul3A_76 = arith.constant 1024 : i32
      %mul3A_77 = arith.muli %add3A_75, %mul3A_76 : i32
      %add3A_78 = arith.addi %mul3A_77, %mul3A_2 : i32
      %dma_wait3A_79 = arith.constant 0 : i32
      %dma_wait3A_80 = tpu.memref_slice %arg2[%add3A_78, %dma_wait3A_79] : memref<65536x384xf32, #tpu.memory_space<hbm>> -> memref<32x384xf32, #tpu.memory_space<hbm>>
      %dma_wait3A_81 = arith.constant 0 : i32
      %dma_wait3A_82 = tpu.memref_slice %arg2[%add3A_78, %dma_wait3A_81] : memref<65536x384xf32, #tpu.memory_space<hbm>> -> memref<32x384xf32, #tpu.memory_space<hbm>>
      tpu.wait_dma2 semaphore(%arg19 : memref<!tpu.dma_semaphore, #tpu.memory_space<semaphore_mem>>) src(%dma_wait3A_82 : memref<32x384xf32, #tpu.memory_space<hbm>>) dst(%arg13 : memref<32x384xf32, #tpu.memory_space<vmem>>)
      %ge3A_83 = arith.constant 2 : i32
      %ge3A_84 = arith.cmpi sge, %add3A_75, %ge3A_83 : i32
      %convert_element_type3A_85 = arith.extui %ge3A_84 : i1 to i32
      %cond3A_86 = arith.constant 0 : i32
      %cond3A_87 = arith.cmpi ne, %convert_element_type3A_85, %cond3A_86 : i32
      scf.if %cond3A_87 {
        %dma_wait3A_105 = arith.constant 0 : i32
        %dma_wait3A_106 = tpu.memref_slice %arg7[%add3A_78, %dma_wait3A_105] : memref<65536x384xf32, #tpu.memory_space<hbm>> -> memref<32x384xf32, #tpu.memory_space<hbm>>
        %dma_wait3A_107 = arith.constant 0 : i32
        %dma_wait3A_108 = tpu.memref_slice %arg7[%add3A_78, %dma_wait3A_107] : memref<65536x384xf32, #tpu.memory_space<hbm>> -> memref<32x384xf32, #tpu.memory_space<hbm>>
        tpu.wait_dma2 semaphore(%arg21 : memref<!tpu.dma_semaphore, #tpu.memory_space<semaphore_mem>>) src(%arg15 : memref<32x384xf32, #tpu.memory_space<vmem>>) dst(%dma_wait3A_108 : memref<32x384xf32, #tpu.memory_space<hbm>>)
      } else {
      }
      %scan3A_88 = arith.constant 0 : i32
      %scan3A_89 = arith.constant 0 : i32
      %scan3A_90 = arith.constant 32 : i32
      %scan3A_91 = arith.addi %scan3A_89, %scan3A_90 : i32
      %scan3A_92 = arith.constant 1 : i32
      scf.for %scan3A_105 = %scan3A_89 to %scan3A_91 step %scan3A_92  : i32 {
        %get3A = arith.index_cast %scan3A_105 : i32 to index
        %get3A_106 = arith.constant 0 : index
        %get3A_107 = tpu.vector_load %arg13[%get3A, %get3A_106] {strides = array<i32>} : memref<32x384xf32, #tpu.memory_space<vmem>>, vector<1x16xf32>,
        %get3A_108 = vector.shape_cast %get3A_107 : vector<1x16xf32> to vector<16xf32>
        %get3A_109 = arith.index_cast %scan3A_105 : i32 to index
        %get3A_110 = arith.constant 0 : index
        %get3A_111 = tpu.vector_load %arg10[%get3A_109, %get3A_110] {strides = array<i32>} : memref<32x384xf32, #tpu.memory_space<vmem>>, vector<1x16xf32>,
        %get3A_112 = vector.shape_cast %get3A_111 : vector<1x16xf32> to vector<16xf32>
        %add3A_113 = arith.addf %get3A_108, %get3A_112 : vector<16xf32>
        %swap3A = arith.index_cast %scan3A_105 : i32 to index
        %swap3A_114 = arith.constant 0 : index
        %swap3A_115 = tpu.vector_load %arg15[%swap3A, %swap3A_114] {strides = array<i32>} : memref<32x384xf32, #tpu.memory_space<vmem>>, vector<1x16xf32>,
        %swap3A_116 = vector.shape_cast %swap3A_115 : vector<1x16xf32> to vector<16xf32>
        %swap3A_117 = vector.shape_cast %add3A_113 : vector<16xf32> to vector<1x16xf32>
        tpu.vector_store %arg15[%swap3A, %swap3A_114], %swap3A_117 {strides = array<i32>} : memref<32x384xf32, #tpu.memory_space<vmem>>, vector<1x16xf32>,
        %get3A_118 = arith.index_cast %scan3A_105 : i32 to index
        %get3A_119 = arith.constant 16 : index
        %get3A_120 = tpu.vector_load %arg13[%get3A_118, %get3A_119] {strides = array<i32>} : memref<32x384xf32, #tpu.memory_space<vmem>>, vector<1x16xf32>,
        %get3A_121 = vector.shape_cast %get3A_120 : vector<1x16xf32> to vector<16xf32>
        %get3A_122 = arith.index_cast %scan3A_105 : i32 to index
        %get3A_123 = arith.constant 16 : index
        %get3A_124 = tpu.vector_load %arg10[%get3A_122, %get3A_123] {strides = array<i32>} : memref<32x384xf32, #tpu.memory_space<vmem>>, vector<1x16xf32>,
        %get3A_125 = vector.shape_cast %get3A_124 : vector<1x16xf32> to vector<16xf32>
        %add3A_126 = arith.addf %get3A_121, %get3A_125 : vector<16xf32>
        %swap3A_127 = arith.index_cast %scan3A_105 : i32 to index
        %swap3A_128 = arith.constant 16 : index
        %swap3A_129 = tpu.vector_load %arg15[%swap3A_127, %swap3A_128] {strides = array<i32>} : memref<32x384xf32, #tpu.memory_space<vmem>>, vector<1x16xf32>,
        %swap3A_130 = vector.shape_cast %swap3A_129 : vector<1x16xf32> to vector<16xf32>
        %swap3A_131 = vector.shape_cast %add3A_126 : vector<16xf32> to vector<1x16xf32>
        tpu.vector_store %arg15[%swap3A_127, %swap3A_128], %swap3A_131 {strides = array<i32>} : memref<32x384xf32, #tpu.memory_space<vmem>>, vector<1x16xf32>,
        %get3A_132 = arith.index_cast %scan3A_105 : i32 to index
        %get3A_133 = arith.constant 32 : index
        %get3A_134 = tpu.vector_load %arg13[%get3A_132, %get3A_133] {strides = array<i32>} : memref<32x384xf32, #tpu.memory_space<vmem>>, vector<1x16xf32>,
        %get3A_135 = vector.shape_cast %get3A_134 : vector<1x16xf32> to vector<16xf32>
        %get3A_136 = arith.index_cast %scan3A_105 : i32 to index
        %get3A_137 = arith.constant 32 : index
        %get3A_138 = tpu.vector_load %arg10[%get3A_136, %get3A_137] {strides = array<i32>} : memref<32x384xf32, #tpu.memory_space<vmem>>, vector<1x16xf32>,
        %get3A_139 = vector.shape_cast %get3A_138 : vector<1x16xf32> to vector<16xf32>
        %add3A_140 = arith.addf %get3A_135, %get3A_139 : vector<16xf32>
        %swap3A_141 = arith.index_cast %scan3A_105 : i32 to index
        %swap3A_142 = arith.constant 32 : index
        %swap3A_143 = tpu.vector_load %arg15[%swap3A_141, %swap3A_142] {strides = array<i32>} : memref<32x384xf32, #tpu.memory_space<vmem>>, vector<1x16xf32>,
        %swap3A_144 = vector.shape_cast %swap3A_143 : vector<1x16xf32> to vector<16xf32>
        %swap3A_145 = vector.shape_cast %add3A_140 : vector<16xf32> to vector<1x16xf32>
        tpu.vector_store %arg15[%swap3A_141, %swap3A_142], %swap3A_145 {strides = array<i32>} : memref<32x384xf32, #tpu.memory_space<vmem>>, vector<1x16xf32>,
        %get3A_146 = arith.index_cast %scan3A_105 : i32 to index
        %get3A_147 = arith.constant 48 : index
        %get3A_148 = tpu.vector_load %arg13[%get3A_146, %get3A_147] {strides = array<i32>} : memref<32x384xf32, #tpu.memory_space<vmem>>, vector<1x16xf32>,
        %get3A_149 = vector.shape_cast %get3A_148 : vector<1x16xf32> to vector<16xf32>
        %get3A_150 = arith.index_cast %scan3A_105 : i32 to index
        %get3A_151 = arith.constant 48 : index
        %get3A_152 = tpu.vector_load %arg10[%get3A_150, %get3A_151] {strides = array<i32>} : memref<32x384xf32, #tpu.memory_space<vmem>>, vector<1x16xf32>,
        %get3A_153 = vector.shape_cast %get3A_152 : vector<1x16xf32> to vector<16xf32>
        %add3A_154 = arith.addf %get3A_149, %get3A_153 : vector<16xf32>
        %swap3A_155 = arith.index_cast %scan3A_105 : i32 to index
        %swap3A_156 = arith.constant 48 : index
        %swap3A_157 = tpu.vector_load %arg15[%swap3A_155, %swap3A_156] {strides = array<i32>} : memref<32x384xf32, #tpu.memory_space<vmem>>, vector<1x16xf32>,
        %swap3A_158 = vector.shape_cast %swap3A_157 : vector<1x16xf32> to vector<16xf32>
        %swap3A_159 = vector.shape_cast %add3A_154 : vector<16xf32> to vector<1x16xf32>
        tpu.vector_store %arg15[%swap3A_155, %swap3A_156], %swap3A_159 {strides = array<i32>} : memref<32x384xf32, #tpu.memory_space<vmem>>, vector<1x16xf32>,
        %get3A_160 = arith.index_cast %scan3A_105 : i32 to index
        %get3A_161 = arith.constant 64 : index
        %get3A_162 = tpu.vector_load %arg13[%get3A_160, %get3A_161] {strides = array<i32>} : memref<32x384xf32, #tpu.memory_space<vmem>>, vector<1x16xf32>,
        %get3A_163 = vector.shape_cast %get3A_162 : vector<1x16xf32> to vector<16xf32>
        %get3A_164 = arith.index_cast %scan3A_105 : i32 to index
        %get3A_165 = arith.constant 64 : index
        %get3A_166 = tpu.vector_load %arg10[%get3A_164, %get3A_165] {strides = array<i32>} : memref<32x384xf32, #tpu.memory_space<vmem>>, vector<1x16xf32>,
        %get3A_167 = vector.shape_cast %get3A_166 : vector<1x16xf32> to vector<16xf32>
        %add3A_168 = arith.addf %get3A_163, %get3A_167 : vector<16xf32>
        %swap3A_169 = arith.index_cast %scan3A_105 : i32 to index
        %swap3A_170 = arith.constant 64 : index
        %swap3A_171 = tpu.vector_load %arg15[%swap3A_169, %swap3A_170] {strides = array<i32>} : memref<32x384xf32, #tpu.memory_space<vmem>>, vector<1x16xf32>,
        %swap3A_172 = vector.shape_cast %swap3A_171 : vector<1x16xf32> to vector<16xf32>
        %swap3A_173 = vector.shape_cast %add3A_168 : vector<16xf32> to vector<1x16xf32>
        tpu.vector_store %arg15[%swap3A_169, %swap3A_170], %swap3A_173 {strides = array<i32>} : memref<32x384xf32, #tpu.memory_space<vmem>>, vector<1x16xf32>,
        %get3A_174 = arith.index_cast %scan3A_105 : i32 to index
        %get3A_175 = arith.constant 80 : index
        %get3A_176 = tpu.vector_load %arg13[%get3A_174, %get3A_175] {strides = array<i32>} : memref<32x384xf32, #tpu.memory_space<vmem>>, vector<1x16xf32>,
        %get3A_177 = vector.shape_cast %get3A_176 : vector<1x16xf32> to vector<16xf32>
        %get3A_178 = arith.index_cast %scan3A_105 : i32 to index
        %get3A_179 = arith.constant 80 : index
        %get3A_180 = tpu.vector_load %arg10[%get3A_178, %get3A_179] {strides = array<i32>} : memref<32x384xf32, #tpu.memory_space<vmem>>, vector<1x16xf32>,
        %get3A_181 = vector.shape_cast %get3A_180 : vector<1x16xf32> to vector<16xf32>
        %add3A_182 = arith.addf %get3A_177, %get3A_181 : vector<16xf32>
        %swap3A_183 = arith.index_cast %scan3A_105 : i32 to index
        %swap3A_184 = arith.constant 80 : index
        %swap3A_185 = tpu.vector_load %arg15[%swap3A_183, %swap3A_184] {strides = array<i32>} : memref<32x384xf32, #tpu.memory_space<vmem>>, vector<1x16xf32>,
        %swap3A_186 = vector.shape_cast %swap3A_185 : vector<1x16xf32> to vector<16xf32>
        %swap3A_187 = vector.shape_cast %add3A_182 : vector<16xf32> to vector<1x16xf32>
        tpu.vector_store %arg15[%swap3A_183, %swap3A_184], %swap3A_187 {strides = array<i32>} : memref<32x384xf32, #tpu.memory_space<vmem>>, vector<1x16xf32>,
        %get3A_188 = arith.index_cast %scan3A_105 : i32 to index
        %get3A_189 = arith.constant 96 : index
        %get3A_190 = tpu.vector_load %arg13[%get3A_188, %get3A_189] {strides = array<i32>} : memref<32x384xf32, #tpu.memory_space<vmem>>, vector<1x16xf32>,
        %get3A_191 = vector.shape_cast %get3A_190 : vector<1x16xf32> to vector<16xf32>
        %get3A_192 = arith.index_cast %scan3A_105 : i32 to index
        %get3A_193 = arith.constant 96 : index
        %get3A_194 = tpu.vector_load %arg10[%get3A_192, %get3A_193] {strides = array<i32>} : memref<32x384xf32, #tpu.memory_space<vmem>>, vector<1x16xf32>,
        %get3A_195 = vector.shape_cast %get3A_194 : vector<1x16xf32> to vector<16xf32>
        %add3A_196 = arith.addf %get3A_191, %get3A_195 : vector<16xf32>
        %swap3A_197 = arith.index_cast %scan3A_105 : i32 to index
        %swap3A_198 = arith.constant 96 : index
        %swap3A_199 = tpu.vector_load %arg15[%swap3A_197, %swap3A_198] {strides = array<i32>} : memref<32x384xf32, #tpu.memory_space<vmem>>, vector<1x16xf32>,
        %swap3A_200 = vector.shape_cast %swap3A_199 : vector<1x16xf32> to vector<16xf32>
        %swap3A_201 = vector.shape_cast %add3A_196 : vector<16xf32> to vector<1x16xf32>
        tpu.vector_store %arg15[%swap3A_197, %swap3A_198], %swap3A_201 {strides = array<i32>} : memref<32x384xf32, #tpu.memory_space<vmem>>, vector<1x16xf32>,
        %get3A_202 = arith.index_cast %scan3A_105 : i32 to index
        %get3A_203 = arith.constant 112 : index
        %get3A_204 = tpu.vector_load %arg13[%get3A_202, %get3A_203] {strides = array<i32>} : memref<32x384xf32, #tpu.memory_space<vmem>>, vector<1x16xf32>,
        %get3A_205 = vector.shape_cast %get3A_204 : vector<1x16xf32> to vector<16xf32>
        %get3A_206 = arith.index_cast %scan3A_105 : i32 to index
        %get3A_207 = arith.constant 112 : index
        %get3A_208 = tpu.vector_load %arg10[%get3A_206, %get3A_207] {strides = array<i32>} : memref<32x384xf32, #tpu.memory_space<vmem>>, vector<1x16xf32>,
        %get3A_209 = vector.shape_cast %get3A_208 : vector<1x16xf32> to vector<16xf32>
        %add3A_210 = arith.addf %get3A_205, %get3A_209 : vector<16xf32>
        %swap3A_211 = arith.index_cast %scan3A_105 : i32 to index
        %swap3A_212 = arith.constant 112 : index
        %swap3A_213 = tpu.vector_load %arg15[%swap3A_211, %swap3A_212] {strides = array<i32>} : memref<32x384xf32, #tpu.memory_space<vmem>>, vector<1x16xf32>,
        %swap3A_214 = vector.shape_cast %swap3A_213 : vector<1x16xf32> to vector<16xf32>
        %swap3A_215 = vector.shape_cast %add3A_210 : vector<16xf32> to vector<1x16xf32>
        tpu.vector_store %arg15[%swap3A_211, %swap3A_212], %swap3A_215 {strides = array<i32>} : memref<32x384xf32, #tpu.memory_space<vmem>>, vector<1x16xf32>,
        %get3A_216 = arith.index_cast %scan3A_105 : i32 to index
        %get3A_217 = arith.constant 128 : index
        %get3A_218 = tpu.vector_load %arg13[%get3A_216, %get3A_217] {strides = array<i32>} : memref<32x384xf32, #tpu.memory_space<vmem>>, vector<1x16xf32>,
        %get3A_219 = vector.shape_cast %get3A_218 : vector<1x16xf32> to vector<16xf32>
        %get3A_220 = arith.index_cast %scan3A_105 : i32 to index
        %get3A_221 = arith.constant 128 : index
        %get3A_222 = tpu.vector_load %arg10[%get3A_220, %get3A_221] {strides = array<i32>} : memref<32x384xf32, #tpu.memory_space<vmem>>, vector<1x16xf32>,
        %get3A_223 = vector.shape_cast %get3A_222 : vector<1x16xf32> to vector<16xf32>
        %add3A_224 = arith.addf %get3A_219, %get3A_223 : vector<16xf32>
        %swap3A_225 = arith.index_cast %scan3A_105 : i32 to index
        %swap3A_226 = arith.constant 128 : index
        %swap3A_227 = tpu.vector_load %arg15[%swap3A_225, %swap3A_226] {strides = array<i32>} : memref<32x384xf32, #tpu.memory_space<vmem>>, vector<1x16xf32>,
        %swap3A_228 = vector.shape_cast %swap3A_227 : vector<1x16xf32> to vector<16xf32>
        %swap3A_229 = vector.shape_cast %add3A_224 : vector<16xf32> to vector<1x16xf32>
        tpu.vector_store %arg15[%swap3A_225, %swap3A_226], %swap3A_229 {strides = array<i32>} : memref<32x384xf32, #tpu.memory_space<vmem>>, vector<1x16xf32>,
        %get3A_230 = arith.index_cast %scan3A_105 : i32 to index
        %get3A_231 = arith.constant 144 : index
        %get3A_232 = tpu.vector_load %arg13[%get3A_230, %get3A_231] {strides = array<i32>} : memref<32x384xf32, #tpu.memory_space<vmem>>, vector<1x16xf32>,
        %get3A_233 = vector.shape_cast %get3A_232 : vector<1x16xf32> to vector<16xf32>
        %get3A_234 = arith.index_cast %scan3A_105 : i32 to index
        %get3A_235 = arith.constant 144 : index
        %get3A_236 = tpu.vector_load %arg10[%get3A_234, %get3A_235] {strides = array<i32>} : memref<32x384xf32, #tpu.memory_space<vmem>>, vector<1x16xf32>,
        %get3A_237 = vector.shape_cast %get3A_236 : vector<1x16xf32> to vector<16xf32>
        %add3A_238 = arith.addf %get3A_233, %get3A_237 : vector<16xf32>
        %swap3A_239 = arith.index_cast %scan3A_105 : i32 to index
        %swap3A_240 = arith.constant 144 : index
        %swap3A_241 = tpu.vector_load %arg15[%swap3A_239, %swap3A_240] {strides = array<i32>} : memref<32x384xf32, #tpu.memory_space<vmem>>, vector<1x16xf32>,
        %swap3A_242 = vector.shape_cast %swap3A_241 : vector<1x16xf32> to vector<16xf32>
        %swap3A_243 = vector.shape_cast %add3A_238 : vector<16xf32> to vector<1x16xf32>
        tpu.vector_store %arg15[%swap3A_239, %swap3A_240], %swap3A_243 {strides = array<i32>} : memref<32x384xf32, #tpu.memory_space<vmem>>, vector<1x16xf32>,
        %get3A_244 = arith.index_cast %scan3A_105 : i32 to index
        %get3A_245 = arith.constant 160 : index
        %get3A_246 = tpu.vector_load %arg13[%get3A_244, %get3A_245] {strides = array<i32>} : memref<32x384xf32, #tpu.memory_space<vmem>>, vector<1x16xf32>,
        %get3A_247 = vector.shape_cast %get3A_246 : vector<1x16xf32> to vector<16xf32>
        %get3A_248 = arith.index_cast %scan3A_105 : i32 to index
        %get3A_249 = arith.constant 160 : index
        %get3A_250 = tpu.vector_load %arg10[%get3A_248, %get3A_249] {strides = array<i32>} : memref<32x384xf32, #tpu.memory_space<vmem>>, vector<1x16xf32>,
        %get3A_251 = vector.shape_cast %get3A_250 : vector<1x16xf32> to vector<16xf32>
        %add3A_252 = arith.addf %get3A_247, %get3A_251 : vector<16xf32>
        %swap3A_253 = arith.index_cast %scan3A_105 : i32 to index
        %swap3A_254 = arith.constant 160 : index
        %swap3A_255 = tpu.vector_load %arg15[%swap3A_253, %swap3A_254] {strides = array<i32>} : memref<32x384xf32, #tpu.memory_space<vmem>>, vector<1x16xf32>,
        %swap3A_256 = vector.shape_cast %swap3A_255 : vector<1x16xf32> to vector<16xf32>
        %swap3A_257 = vector.shape_cast %add3A_252 : vector<16xf32> to vector<1x16xf32>
        tpu.vector_store %arg15[%swap3A_253, %swap3A_254], %swap3A_257 {strides = array<i32>} : memref<32x384xf32, #tpu.memory_space<vmem>>, vector<1x16xf32>,
        %get3A_258 = arith.index_cast %scan3A_105 : i32 to index
        %get3A_259 = arith.constant 176 : index
        %get3A_260 = tpu.vector_load %arg13[%get3A_258, %get3A_259] {strides = array<i32>} : memref<32x384xf32, #tpu.memory_space<vmem>>, vector<1x16xf32>,
        %get3A_261 = vector.shape_cast %get3A_260 : vector<1x16xf32> to vector<16xf32>
        %get3A_262 = arith.index_cast %scan3A_105 : i32 to index
        %get3A_263 = arith.constant 176 : index
        %get3A_264 = tpu.vector_load %arg10[%get3A_262, %get3A_263] {strides = array<i32>} : memref<32x384xf32, #tpu.memory_space<vmem>>, vector<1x16xf32>,
        %get3A_265 = vector.shape_cast %get3A_264 : vector<1x16xf32> to vector<16xf32>
        %add3A_266 = arith.addf %get3A_261, %get3A_265 : vector<16xf32>
        %swap3A_267 = arith.index_cast %scan3A_105 : i32 to index
        %swap3A_268 = arith.constant 176 : index
        %swap3A_269 = tpu.vector_load %arg15[%swap3A_267, %swap3A_268] {strides = array<i32>} : memref<32x384xf32, #tpu.memory_space<vmem>>, vector<1x16xf32>,
        %swap3A_270 = vector.shape_cast %swap3A_269 : vector<1x16xf32> to vector<16xf32>
        %swap3A_271 = vector.shape_cast %add3A_266 : vector<16xf32> to vector<1x16xf32>
        tpu.vector_store %arg15[%swap3A_267, %swap3A_268], %swap3A_271 {strides = array<i32>} : memref<32x384xf32, #tpu.memory_space<vmem>>, vector<1x16xf32>,
        %get3A_272 = arith.index_cast %scan3A_105 : i32 to index
        %get3A_273 = arith.constant 192 : index
        %get3A_274 = tpu.vector_load %arg13[%get3A_272, %get3A_273] {strides = array<i32>} : memref<32x384xf32, #tpu.memory_space<vmem>>, vector<1x16xf32>,
        %get3A_275 = vector.shape_cast %get3A_274 : vector<1x16xf32> to vector<16xf32>
        %get3A_276 = arith.index_cast %scan3A_105 : i32 to index
        %get3A_277 = arith.constant 192 : index
        %get3A_278 = tpu.vector_load %arg10[%get3A_276, %get3A_277] {strides = array<i32>} : memref<32x384xf32, #tpu.memory_space<vmem>>, vector<1x16xf32>,
        %get3A_279 = vector.shape_cast %get3A_278 : vector<1x16xf32> to vector<16xf32>
        %add3A_280 = arith.addf %get3A_275, %get3A_279 : vector<16xf32>
        %swap3A_281 = arith.index_cast %scan3A_105 : i32 to index
        %swap3A_282 = arith.constant 192 : index
        %swap3A_283 = tpu.vector_load %arg15[%swap3A_281, %swap3A_282] {strides = array<i32>} : memref<32x384xf32, #tpu.memory_space<vmem>>, vector<1x16xf32>,
        %swap3A_284 = vector.shape_cast %swap3A_283 : vector<1x16xf32> to vector<16xf32>
        %swap3A_285 = vector.shape_cast %add3A_280 : vector<16xf32> to vector<1x16xf32>
        tpu.vector_store %arg15[%swap3A_281, %swap3A_282], %swap3A_285 {strides = array<i32>} : memref<32x384xf32, #tpu.memory_space<vmem>>, vector<1x16xf32>,
        %get3A_286 = arith.index_cast %scan3A_105 : i32 to index
        %get3A_287 = arith.constant 208 : index
        %get3A_288 = tpu.vector_load %arg13[%get3A_286, %get3A_287] {strides = array<i32>} : memref<32x384xf32, #tpu.memory_space<vmem>>, vector<1x16xf32>,
        %get3A_289 = vector.shape_cast %get3A_288 : vector<1x16xf32> to vector<16xf32>
        %get3A_290 = arith.index_cast %scan3A_105 : i32 to index
        %get3A_291 = arith.constant 208 : index
        %get3A_292 = tpu.vector_load %arg10[%get3A_290, %get3A_291] {strides = array<i32>} : memref<32x384xf32, #tpu.memory_space<vmem>>, vector<1x16xf32>,
        %get3A_293 = vector.shape_cast %get3A_292 : vector<1x16xf32> to vector<16xf32>
        %add3A_294 = arith.addf %get3A_289, %get3A_293 : vector<16xf32>
        %swap3A_295 = arith.index_cast %scan3A_105 : i32 to index
        %swap3A_296 = arith.constant 208 : index
        %swap3A_297 = tpu.vector_load %arg15[%swap3A_295, %swap3A_296] {strides = array<i32>} : memref<32x384xf32, #tpu.memory_space<vmem>>, vector<1x16xf32>,
        %swap3A_298 = vector.shape_cast %swap3A_297 : vector<1x16xf32> to vector<16xf32>
        %swap3A_299 = vector.shape_cast %add3A_294 : vector<16xf32> to vector<1x16xf32>
        tpu.vector_store %arg15[%swap3A_295, %swap3A_296], %swap3A_299 {strides = array<i32>} : memref<32x384xf32, #tpu.memory_space<vmem>>, vector<1x16xf32>,
        %get3A_300 = arith.index_cast %scan3A_105 : i32 to index
        %get3A_301 = arith.constant 224 : index
        %get3A_302 = tpu.vector_load %arg13[%get3A_300, %get3A_301] {strides = array<i32>} : memref<32x384xf32, #tpu.memory_space<vmem>>, vector<1x16xf32>,
        %get3A_303 = vector.shape_cast %get3A_302 : vector<1x16xf32> to vector<16xf32>
        %get3A_304 = arith.index_cast %scan3A_105 : i32 to index
        %get3A_305 = arith.constant 224 : index
        %get3A_306 = tpu.vector_load %arg10[%get3A_304, %get3A_305] {strides = array<i32>} : memref<32x384xf32, #tpu.memory_space<vmem>>, vector<1x16xf32>,
        %get3A_307 = vector.shape_cast %get3A_306 : vector<1x16xf32> to vector<16xf32>
        %add3A_308 = arith.addf %get3A_303, %get3A_307 : vector<16xf32>
        %swap3A_309 = arith.index_cast %scan3A_105 : i32 to index
        %swap3A_310 = arith.constant 224 : index
        %swap3A_311 = tpu.vector_load %arg15[%swap3A_309, %swap3A_310] {strides = array<i32>} : memref<32x384xf32, #tpu.memory_space<vmem>>, vector<1x16xf32>,
        %swap3A_312 = vector.shape_cast %swap3A_311 : vector<1x16xf32> to vector<16xf32>
        %swap3A_313 = vector.shape_cast %add3A_308 : vector<16xf32> to vector<1x16xf32>
        tpu.vector_store %arg15[%swap3A_309, %swap3A_310], %swap3A_313 {strides = array<i32>} : memref<32x384xf32, #tpu.memory_space<vmem>>, vector<1x16xf32>,
        %get3A_314 = arith.index_cast %scan3A_105 : i32 to index
        %get3A_315 = arith.constant 240 : index
        %get3A_316 = tpu.vector_load %arg13[%get3A_314, %get3A_315] {strides = array<i32>} : memref<32x384xf32, #tpu.memory_space<vmem>>, vector<1x16xf32>,
        %get3A_317 = vector.shape_cast %get3A_316 : vector<1x16xf32> to vector<16xf32>
        %get3A_318 = arith.index_cast %scan3A_105 : i32 to index
        %get3A_319 = arith.constant 240 : index
        %get3A_320 = tpu.vector_load %arg10[%get3A_318, %get3A_319] {strides = array<i32>} : memref<32x384xf32, #tpu.memory_space<vmem>>, vector<1x16xf32>,
        %get3A_321 = vector.shape_cast %get3A_320 : vector<1x16xf32> to vector<16xf32>
        %add3A_322 = arith.addf %get3A_317, %get3A_321 : vector<16xf32>
        %swap3A_323 = arith.index_cast %scan3A_105 : i32 to index
        %swap3A_324 = arith.constant 240 : index
        %swap3A_325 = tpu.vector_load %arg15[%swap3A_323, %swap3A_324] {strides = array<i32>} : memref<32x384xf32, #tpu.memory_space<vmem>>, vector<1x16xf32>,
        %swap3A_326 = vector.shape_cast %swap3A_325 : vector<1x16xf32> to vector<16xf32>
        %swap3A_327 = vector.shape_cast %add3A_322 : vector<16xf32> to vector<1x16xf32>
        tpu.vector_store %arg15[%swap3A_323, %swap3A_324], %swap3A_327 {strides = array<i32>} : memref<32x384xf32, #tpu.memory_space<vmem>>, vector<1x16xf32>,
        %get3A_328 = arith.index_cast %scan3A_105 : i32 to index
        %get3A_329 = arith.constant 256 : index
        %get3A_330 = tpu.vector_load %arg13[%get3A_328, %get3A_329] {strides = array<i32>} : memref<32x384xf32, #tpu.memory_space<vmem>>, vector<1x16xf32>,
        %get3A_331 = vector.shape_cast %get3A_330 : vector<1x16xf32> to vector<16xf32>
        %get3A_332 = arith.index_cast %scan3A_105 : i32 to index
        %get3A_333 = arith.constant 256 : index
        %get3A_334 = tpu.vector_load %arg10[%get3A_332, %get3A_333] {strides = array<i32>} : memref<32x384xf32, #tpu.memory_space<vmem>>, vector<1x16xf32>,
        %get3A_335 = vector.shape_cast %get3A_334 : vector<1x16xf32> to vector<16xf32>
        %add3A_336 = arith.addf %get3A_331, %get3A_335 : vector<16xf32>
        %swap3A_337 = arith.index_cast %scan3A_105 : i32 to index
        %swap3A_338 = arith.constant 256 : index
        %swap3A_339 = tpu.vector_load %arg15[%swap3A_337, %swap3A_338] {strides = array<i32>} : memref<32x384xf32, #tpu.memory_space<vmem>>, vector<1x16xf32>,
        %swap3A_340 = vector.shape_cast %swap3A_339 : vector<1x16xf32> to vector<16xf32>
        %swap3A_341 = vector.shape_cast %add3A_336 : vector<16xf32> to vector<1x16xf32>
        tpu.vector_store %arg15[%swap3A_337, %swap3A_338], %swap3A_341 {strides = array<i32>} : memref<32x384xf32, #tpu.memory_space<vmem>>, vector<1x16xf32>,
        %get3A_342 = arith.index_cast %scan3A_105 : i32 to index
        %get3A_343 = arith.constant 272 : index
        %get3A_344 = tpu.vector_load %arg13[%get3A_342, %get3A_343] {strides = array<i32>} : memref<32x384xf32, #tpu.memory_space<vmem>>, vector<1x16xf32>,
        %get3A_345 = vector.shape_cast %get3A_344 : vector<1x16xf32> to vector<16xf32>
        %get3A_346 = arith.index_cast %scan3A_105 : i32 to index
        %get3A_347 = arith.constant 272 : index
        %get3A_348 = tpu.vector_load %arg10[%get3A_346, %get3A_347] {strides = array<i32>} : memref<32x384xf32, #tpu.memory_space<vmem>>, vector<1x16xf32>,
        %get3A_349 = vector.shape_cast %get3A_348 : vector<1x16xf32> to vector<16xf32>
        %add3A_350 = arith.addf %get3A_345, %get3A_349 : vector<16xf32>
        %swap3A_351 = arith.index_cast %scan3A_105 : i32 to index
        %swap3A_352 = arith.constant 272 : index
        %swap3A_353 = tpu.vector_load %arg15[%swap3A_351, %swap3A_352] {strides = array<i32>} : memref<32x384xf32, #tpu.memory_space<vmem>>, vector<1x16xf32>,
        %swap3A_354 = vector.shape_cast %swap3A_353 : vector<1x16xf32> to vector<16xf32>
        %swap3A_355 = vector.shape_cast %add3A_350 : vector<16xf32> to vector<1x16xf32>
        tpu.vector_store %arg15[%swap3A_351, %swap3A_352], %swap3A_355 {strides = array<i32>} : memref<32x384xf32, #tpu.memory_space<vmem>>, vector<1x16xf32>,
        %get3A_356 = arith.index_cast %scan3A_105 : i32 to index
        %get3A_357 = arith.constant 288 : index
        %get3A_358 = tpu.vector_load %arg13[%get3A_356, %get3A_357] {strides = array<i32>} : memref<32x384xf32, #tpu.memory_space<vmem>>, vector<1x16xf32>,
        %get3A_359 = vector.shape_cast %get3A_358 : vector<1x16xf32> to vector<16xf32>
        %get3A_360 = arith.index_cast %scan3A_105 : i32 to index
        %get3A_361 = arith.constant 288 : index
        %get3A_362 = tpu.vector_load %arg10[%get3A_360, %get3A_361] {strides = array<i32>} : memref<32x384xf32, #tpu.memory_space<vmem>>, vector<1x16xf32>,
        %get3A_363 = vector.shape_cast %get3A_362 : vector<1x16xf32> to vector<16xf32>
        %add3A_364 = arith.addf %get3A_359, %get3A_363 : vector<16xf32>
        %swap3A_365 = arith.index_cast %scan3A_105 : i32 to index
        %swap3A_366 = arith.constant 288 : index
        %swap3A_367 = tpu.vector_load %arg15[%swap3A_365, %swap3A_366] {strides = array<i32>} : memref<32x384xf32, #tpu.memory_space<vmem>>, vector<1x16xf32>,
        %swap3A_368 = vector.shape_cast %swap3A_367 : vector<1x16xf32> to vector<16xf32>
        %swap3A_369 = vector.shape_cast %add3A_364 : vector<16xf32> to vector<1x16xf32>
        tpu.vector_store %arg15[%swap3A_365, %swap3A_366], %swap3A_369 {strides = array<i32>} : memref<32x384xf32, #tpu.memory_space<vmem>>, vector<1x16xf32>,
        %get3A_370 = arith.index_cast %scan3A_105 : i32 to index
        %get3A_371 = arith.constant 304 : index
        %get3A_372 = tpu.vector_load %arg13[%get3A_370, %get3A_371] {strides = array<i32>} : memref<32x384xf32, #tpu.memory_space<vmem>>, vector<1x16xf32>,
        %get3A_373 = vector.shape_cast %get3A_372 : vector<1x16xf32> to vector<16xf32>
        %get3A_374 = arith.index_cast %scan3A_105 : i32 to index
        %get3A_375 = arith.constant 304 : index
        %get3A_376 = tpu.vector_load %arg10[%get3A_374, %get3A_375] {strides = array<i32>} : memref<32x384xf32, #tpu.memory_space<vmem>>, vector<1x16xf32>,
        %get3A_377 = vector.shape_cast %get3A_376 : vector<1x16xf32> to vector<16xf32>
        %add3A_378 = arith.addf %get3A_373, %get3A_377 : vector<16xf32>
        %swap3A_379 = arith.index_cast %scan3A_105 : i32 to index
        %swap3A_380 = arith.constant 304 : index
        %swap3A_381 = tpu.vector_load %arg15[%swap3A_379, %swap3A_380] {strides = array<i32>} : memref<32x384xf32, #tpu.memory_space<vmem>>, vector<1x16xf32>,
        %swap3A_382 = vector.shape_cast %swap3A_381 : vector<1x16xf32> to vector<16xf32>
        %swap3A_383 = vector.shape_cast %add3A_378 : vector<16xf32> to vector<1x16xf32>
        tpu.vector_store %arg15[%swap3A_379, %swap3A_380], %swap3A_383 {strides = array<i32>} : memref<32x384xf32, #tpu.memory_space<vmem>>, vector<1x16xf32>,
        %get3A_384 = arith.index_cast %scan3A_105 : i32 to index
        %get3A_385 = arith.constant 320 : index
        %get3A_386 = tpu.vector_load %arg13[%get3A_384, %get3A_385] {strides = array<i32>} : memref<32x384xf32, #tpu.memory_space<vmem>>, vector<1x16xf32>,
        %get3A_387 = vector.shape_cast %get3A_386 : vector<1x16xf32> to vector<16xf32>
        %get3A_388 = arith.index_cast %scan3A_105 : i32 to index
        %get3A_389 = arith.constant 320 : index
        %get3A_390 = tpu.vector_load %arg10[%get3A_388, %get3A_389] {strides = array<i32>} : memref<32x384xf32, #tpu.memory_space<vmem>>, vector<1x16xf32>,
        %get3A_391 = vector.shape_cast %get3A_390 : vector<1x16xf32> to vector<16xf32>
        %add3A_392 = arith.addf %get3A_387, %get3A_391 : vector<16xf32>
        %swap3A_393 = arith.index_cast %scan3A_105 : i32 to index
        %swap3A_394 = arith.constant 320 : index
        %swap3A_395 = tpu.vector_load %arg15[%swap3A_393, %swap3A_394] {strides = array<i32>} : memref<32x384xf32, #tpu.memory_space<vmem>>, vector<1x16xf32>,
        %swap3A_396 = vector.shape_cast %swap3A_395 : vector<1x16xf32> to vector<16xf32>
        %swap3A_397 = vector.shape_cast %add3A_392 : vector<16xf32> to vector<1x16xf32>
        tpu.vector_store %arg15[%swap3A_393, %swap3A_394], %swap3A_397 {strides = array<i32>} : memref<32x384xf32, #tpu.memory_space<vmem>>, vector<1x16xf32>,
        %get3A_398 = arith.index_cast %scan3A_105 : i32 to index
        %get3A_399 = arith.constant 336 : index
        %get3A_400 = tpu.vector_load %arg13[%get3A_398, %get3A_399] {strides = array<i32>} : memref<32x384xf32, #tpu.memory_space<vmem>>, vector<1x16xf32>,
        %get3A_401 = vector.shape_cast %get3A_400 : vector<1x16xf32> to vector<16xf32>
        %get3A_402 = arith.index_cast %scan3A_105 : i32 to index
        %get3A_403 = arith.constant 336 : index
        %get3A_404 = tpu.vector_load %arg10[%get3A_402, %get3A_403] {strides = array<i32>} : memref<32x384xf32, #tpu.memory_space<vmem>>, vector<1x16xf32>,
        %get3A_405 = vector.shape_cast %get3A_404 : vector<1x16xf32> to vector<16xf32>
        %add3A_406 = arith.addf %get3A_401, %get3A_405 : vector<16xf32>
        %swap3A_407 = arith.index_cast %scan3A_105 : i32 to index
        %swap3A_408 = arith.constant 336 : index
        %swap3A_409 = tpu.vector_load %arg15[%swap3A_407, %swap3A_408] {strides = array<i32>} : memref<32x384xf32, #tpu.memory_space<vmem>>, vector<1x16xf32>,
        %swap3A_410 = vector.shape_cast %swap3A_409 : vector<1x16xf32> to vector<16xf32>
        %swap3A_411 = vector.shape_cast %add3A_406 : vector<16xf32> to vector<1x16xf32>
        tpu.vector_store %arg15[%swap3A_407, %swap3A_408], %swap3A_411 {strides = array<i32>} : memref<32x384xf32, #tpu.memory_space<vmem>>, vector<1x16xf32>,
        %get3A_412 = arith.index_cast %scan3A_105 : i32 to index
        %get3A_413 = arith.constant 352 : index
        %get3A_414 = tpu.vector_load %arg13[%get3A_412, %get3A_413] {strides = array<i32>} : memref<32x384xf32, #tpu.memory_space<vmem>>, vector<1x16xf32>,
        %get3A_415 = vector.shape_cast %get3A_414 : vector<1x16xf32> to vector<16xf32>
        %get3A_416 = arith.index_cast %scan3A_105 : i32 to index
        %get3A_417 = arith.constant 352 : index
        %get3A_418 = tpu.vector_load %arg10[%get3A_416, %get3A_417] {strides = array<i32>} : memref<32x384xf32, #tpu.memory_space<vmem>>, vector<1x16xf32>,
        %get3A_419 = vector.shape_cast %get3A_418 : vector<1x16xf32> to vector<16xf32>
        %add3A_420 = arith.addf %get3A_415, %get3A_419 : vector<16xf32>
        %swap3A_421 = arith.index_cast %scan3A_105 : i32 to index
        %swap3A_422 = arith.constant 352 : index
        %swap3A_423 = tpu.vector_load %arg15[%swap3A_421, %swap3A_422] {strides = array<i32>} : memref<32x384xf32, #tpu.memory_space<vmem>>, vector<1x16xf32>,
        %swap3A_424 = vector.shape_cast %swap3A_423 : vector<1x16xf32> to vector<16xf32>
        %swap3A_425 = vector.shape_cast %add3A_420 : vector<16xf32> to vector<1x16xf32>
        tpu.vector_store %arg15[%swap3A_421, %swap3A_422], %swap3A_425 {strides = array<i32>} : memref<32x384xf32, #tpu.memory_space<vmem>>, vector<1x16xf32>,
        %get3A_426 = arith.index_cast %scan3A_105 : i32 to index
        %get3A_427 = arith.constant 368 : index
        %get3A_428 = tpu.vector_load %arg13[%get3A_426, %get3A_427] {strides = array<i32>} : memref<32x384xf32, #tpu.memory_space<vmem>>, vector<1x16xf32>,
        %get3A_429 = vector.shape_cast %get3A_428 : vector<1x16xf32> to vector<16xf32>
        %get3A_430 = arith.index_cast %scan3A_105 : i32 to index
        %get3A_431 = arith.constant 368 : index
        %get3A_432 = tpu.vector_load %arg10[%get3A_430, %get3A_431] {strides = array<i32>} : memref<32x384xf32, #tpu.memory_space<vmem>>, vector<1x16xf32>,
        %get3A_433 = vector.shape_cast %get3A_432 : vector<1x16xf32> to vector<16xf32>
        %add3A_434 = arith.addf %get3A_429, %get3A_433 : vector<16xf32>
        %swap3A_435 = arith.index_cast %scan3A_105 : i32 to index
        %swap3A_436 = arith.constant 368 : index
        %swap3A_437 = tpu.vector_load %arg15[%swap3A_435, %swap3A_436] {strides = array<i32>} : memref<32x384xf32, #tpu.memory_space<vmem>>, vector<1x16xf32>,
        %swap3A_438 = vector.shape_cast %swap3A_437 : vector<1x16xf32> to vector<16xf32>
        %swap3A_439 = vector.shape_cast %add3A_434 : vector<16xf32> to vector<1x16xf32>
        tpu.vector_store %arg15[%swap3A_435, %swap3A_436], %swap3A_439 {strides = array<i32>} : memref<32x384xf32, #tpu.memory_space<vmem>>, vector<1x16xf32>,
      }
      %scan3A_93 = arith.constant 32 : i32
      %dma_start3A_94 = arith.constant 0 : i32
      %dma_start3A_95 = tpu.memref_slice %arg7[%add3A_78, %dma_start3A_94] : memref<65536x384xf32, #tpu.memory_space<hbm>> -> memref<32x384xf32, #tpu.memory_space<hbm>>
      %dma_start3A_96 = arith.constant 0 : i32
      %dma_start3A_97 = tpu.memref_slice %arg7[%add3A_78, %dma_start3A_96] : memref<65536x384xf32, #tpu.memory_space<hbm>> -> memref<32x384xf32, #tpu.memory_space<hbm>>
      tpu.enqueue_dma source(%arg15 : memref<32x384xf32, #tpu.memory_space<vmem>>) target(%dma_start3A_97 : memref<32x384xf32, #tpu.memory_space<hbm>>) target_semaphore(%arg21 : memref<!tpu.dma_semaphore, #tpu.memory_space<semaphore_mem>>)
      %add3A_98 = arith.constant 2 : i32
      %add3A_99 = arith.addi %add3A_75, %add3A_98 : i32
      %lt3A_100 = arith.constant 64 : i32
      %lt3A_101 = arith.cmpi slt, %add3A_99, %lt3A_100 : i32
      %convert_element_type3A_102 = arith.extui %lt3A_101 : i1 to i32
      %cond3A_103 = arith.constant 0 : i32
      %cond3A_104 = arith.cmpi ne, %convert_element_type3A_102, %cond3A_103 : i32
      scf.if %cond3A_104 {
        %add3A_105 = arith.constant 2 : i32
        %add3A_106 = arith.addi %add3A_75, %add3A_105 : i32
        %mul3A_107 = arith.constant 1024 : i32
        %mul3A_108 = arith.muli %add3A_106, %mul3A_107 : i32
        %add3A_109 = arith.addi %mul3A_108, %mul3A_2 : i32
        %dma_start3A_110 = arith.constant 0 : i32
        %dma_start3A_111 = tpu.memref_slice %arg2[%add3A_109, %dma_start3A_110] : memref<65536x384xf32, #tpu.memory_space<hbm>> -> memref<32x384xf32, #tpu.memory_space<hbm>>
        %dma_start3A_112 = arith.constant 0 : i32
        %dma_start3A_113 = tpu.memref_slice %arg2[%add3A_109, %dma_start3A_112] : memref<65536x384xf32, #tpu.memory_space<hbm>> -> memref<32x384xf32, #tpu.memory_space<hbm>>
        tpu.enqueue_dma source(%dma_start3A_113 : memref<32x384xf32, #tpu.memory_space<hbm>>) target(%arg13 : memref<32x384xf32, #tpu.memory_space<vmem>>) target_semaphore(%arg19 : memref<!tpu.dma_semaphore, #tpu.memory_space<semaphore_mem>>)
      } else {
      }
    }
    %scan3A_33 = arith.constant 32 : i32
    %dma_wait3A_34 = arith.constant 0 : i32
    %dma_wait3A_35 = tpu.memref_slice %arg7[%mul3A_2, %dma_wait3A_34] : memref<65536x384xf32, #tpu.memory_space<hbm>> -> memref<32x384xf32, #tpu.memory_space<hbm>>
    %dma_wait3A_36 = arith.constant 0 : i32
    %dma_wait3A_37 = tpu.memref_slice %arg7[%mul3A_2, %dma_wait3A_36] : memref<65536x384xf32, #tpu.memory_space<hbm>> -> memref<32x384xf32, #tpu.memory_space<hbm>>
    tpu.wait_dma2 semaphore(%arg20 : memref<!tpu.dma_semaphore, #tpu.memory_space<semaphore_mem>>) src(%arg14 : memref<32x384xf32, #tpu.memory_space<vmem>>) dst(%dma_wait3A_37 : memref<32x384xf32, #tpu.memory_space<hbm>>)
    %dma_wait3A_38 = arith.constant 0 : i32
    %dma_wait3A_39 = tpu.memref_slice %arg7[%mul3A_2, %dma_wait3A_38] : memref<65536x384xf32, #tpu.memory_space<hbm>> -> memref<32x384xf32, #tpu.memory_space<hbm>>
    %dma_wait3A_40 = arith.constant 0 : i32
    %dma_wait3A_41 = tpu.memref_slice %arg7[%mul3A_2, %dma_wait3A_40] : memref<65536x384xf32, #tpu.memory_space<hbm>> -> memref<32x384xf32, #tpu.memory_space<hbm>>
    tpu.wait_dma2 semaphore(%arg21 : memref<!tpu.dma_semaphore, #tpu.memory_space<semaphore_mem>>) src(%arg15 : memref<32x384xf32, #tpu.memory_space<vmem>>) dst(%dma_wait3A_41 : memref<32x384xf32, #tpu.memory_space<hbm>>)
    return
  }
}

</mosaic_0001>

<sc_bundles>
// kernel: kernel.3.cloned.1.call-start
scs
__scs_entry_jumppad:
0x0: {  	(pc) =	sbr.rel $0x88, $3  }
0x1: {  	(tag) =	ssettag $0x0;
	lr =	simm.s32 $0x1  }
0x2: {  	[smem:$0x3F9C] =	sst lr;
	_ =	strace $0xD0000000  }
0x3: {  	_ = 	snop  }
0x4: {  	_ = 	snop  }
0x5: {  	_ = 	snop  }
0x6: {  	_ = 	snop  }
0x7: {  	_ = 	snop  }
__scs_overlays_trampoline_lowered:
0x8: {  	[smem:$0x3FAB] =	sst s0  }
0x9: {  	[smem:$0x3FAC] =	sst s1  }
0xa: {  	[smem:$0x3FAD] =	sst s2  }
0xb: {  	[smem:$0x3FAE] =	sst s3  }
0xc: {  	[smem:$0x3FAF] =	sst s4  }
0xd: {  	[smem:$0x3FB0] =	sst s5  }
0xe: {  	[smem:$0x3FB1] =	sst s6  }
0xf: {  	[smem:$0x3FB2] =	sst s7  }
0x10: {  	[smem:$0x3FB3] =	sst s8  }
0x11: {  	[smem:$0x3FB4] =	sst s9;
	s0 =	simm.s32 @!p0 $0x0  }
0x12: {  	s1 =	sld [smem:$0x3F9A];
	s0 =	simm.s32 @p0 $0x1  }
0x13: {  	[smem:$0x3FB5] =	sst s0;
	s0 =	simm.s32 @!p1 $0x0  }
0x14: {  	s2 =	sld [smem:$0x3F99];
	s0 =	simm.s32 @p1 $0x1  }
0x15: {  	[smem:$0x3FB6] =	sst s0;
	s0 =	simm.s32 @!p2 $0x0  }
0x16: {  	s3 =	sld [smem:$0x3FDB];
	s0 =	simm.s32 @p2 $0x1  }
0x17: {  	s4 =	simm.s32 $0x1BF5;
	[smem:$0x3FB8] =	sst s0  }
0x18: {  	s0 =	sld [smem:$0x3F9B];
	_ =	swait.ge [sflag:s4], $0x0  }
0x19: {  	s7 =	sld [smem:$0x3F9C]  }
0x1a: {  	s8 =	sadd.s32 $0xFFFFE003, lr  }
0x1b: {  	s9 =	sadd.s32 $0xFFFFFEF7, lr;
	s5 =	simm.s32 $0xFFFFFFFF;
	p2 =	slt.u32 s8, $0xFFFFF086  }
0x1c: {  	p1 =	slt.u32 s9, $0xF7A;
	s5 =	simm.s32 @!p2 $0x0  }
0x1d: {  	s5 =	simm.s32 @p1 $0x1;
	p0 =	seq.s32 s7, s2  }
0x1e: {  	s7 =	smul.u32 @!p0 $0xF7A, s2;
	p2 =	seq.s32 @!p0 s5, $0x0  }
0x1f: {  	s9 =	smul.u32 $0xF7A, s1;
	s8 =	simm.s32 @!p0 $0x1BF5;
	p2 =	por !p2, p0  }
0x20: {  	[sflag:s8] =	ssyncset.s32 @!p0 $0xFFFFF086;
	s6 =	sadd.s32 @!p0 s3, s7;
	s7 =	simm.s32 @!p0 $0x108  }
0x21: {  	s3 =	sadd.s32 s3, s9;
	s6 =	sadd.s32 @!p0 $0x88, s6;
	s7 =	simm.s32 @p2 $0x1082  }
0x22: {  	[simem:s7], [sflag:s8] =	dma.local @!p0 [hbm:s6], $0xF7A  }
0x23: {  	s9 =	sor.u32 $0xD0000000, s2;
	s6 =	simm.s32 $0x108;
	_ =	swait.ge @!p0 [sflag:s8], $0x0  }
0x24: {  	s3 =	sadd.s32 $0x88, s3;
	s6 =	simm.s32 @!p1 $0x1082;
	[sflag:s4] =	ssyncset.s32 $0xFFFFF086  }
0x25: {  	[simem:s6], [sflag:s4] =	dma.local [hbm:s3], $0xF7A  }
0x26: {  	[smem:$0x3F9C] =	sst s1;
	(tag) =	ssettag s2;
	_ =	strace s9  }
0x27: {  	s1 =	sld [smem:$0x3FAC]  }
0x28: {  	s2 =	sld [smem:$0x3FAD]  }
0x29: {  	s4 =	sld [smem:$0x3FAF]  }
0x2a: {  	p0 =	seq.s32 s5, $0x0;
	s5 =	sld [smem:$0x3FB0]  }
0x2b: {  	s6 =	sld [smem:$0x3FB1]  }
0x2c: {  	s7 =	sld [smem:$0x3FB2]  }
0x2d: {  	s3 =	simm.s32 $0x108;
	s8 =	sld [smem:$0x3FB3]  }
0x2e: {  	s3 =	simm.s32 @!p0 $0x1082;
	s9 =	sld [smem:$0x3FB4]  }
0x2f: {  	lr =	sadd.s32 s0, s3;
	s0 =	sld [smem:$0x3FAB]  }
0x30: {  	s3 =	sld [smem:$0x3FAE]  }
0x31: {  	[smem:$0x3FB7] =	sst s10  }
0x32: {  	s10 =	sld [smem:$0x3FB5];
	_ =	sdelay $0x3  }
0x33: {  	p0 =	seq.s32 s10, $0x1;
	s10 =	sld [smem:$0x3FB7];
	_ =	sdelay $0x3  }
0x34: {  	[smem:$0x3FB7] =	sst s10  }
0x35: {  	s10 =	sld [smem:$0x3FB6];
	_ =	sdelay $0x3  }
0x36: {  	p1 =	seq.s32 s10, $0x1;
	s10 =	sld [smem:$0x3FB7];
	_ =	sdelay $0x3  }
0x37: {  	[smem:$0x3FB7] =	sst s10  }
0x38: {  	s10 =	sld [smem:$0x3FB8]  }
0x39: {  	_ = 	snop;
	(pc) =	sbr.ind lr, $3  }
0x3a: {  	_ = 	snop  }
0x3b: {  	_ = 	snop  }
0x3c: {  	p2 =	seq.s32 s10, $0x1;
	s10 =	sld [smem:$0x3FB7]  }
0x3d: {  	_ =	shalt  }
0x3e: {  	_ =	shalt  }
0x3f: {  	_ =	shalt  }
0x40: {  	_ =	shalt  }
0x41: {  	_ =	shalt  }
0x42: {  	_ =	shalt  }
0x43: {  	_ =	shalt  }
0x44: {  	_ =	shalt  }
0x45: {  	_ =	shalt  }
0x46: {  	_ =	shalt  }
0x47: {  	_ =	shalt  }
0x48: {  	_ =	shalt  }
0x49: {  	_ =	shalt  }
0x4a: {  	_ =	shalt  }
0x4b: {  	_ =	shalt  }
0x4c: {  	_ =	shalt  }
0x4d: {  	_ =	shalt  }
0x4e: {  	_ =	shalt  }
0x4f: {  	_ =	shalt  }
0x50: {  	_ =	shalt  }
0x51: {  	_ =	shalt  }
0x52: {  	_ =	shalt  }
0x53: {  	_ =	shalt  }
0x54: {  	_ =	shalt  }
0x55: {  	_ =	shalt  }
0x56: {  	_ =	shalt  }
0x57: {  	_ =	shalt  }
0x58: {  	_ =	shalt  }
0x59: {  	_ =	shalt  }
0x5a: {  	_ =	shalt  }
0x5b: {  	_ =	shalt  }
0x5c: {  	_ =	shalt  }
0x5d: {  	_ =	shalt  }
0x5e: {  	_ =	shalt  }
0x5f: {  	_ =	shalt  }
0x60: {  	_ =	shalt  }
0x61: {  	_ =	shalt  }
0x62: {  	_ =	shalt  }
0x63: {  	_ =	shalt  }
0x64: {  	_ =	shalt  }
0x65: {  	_ =	shalt  }
0x66: {  	_ =	shalt  }
0x67: {  	_ =	shalt  }
0x68: {  	_ =	shalt  }
0x69: {  	_ =	shalt  }
0x6a: {  	_ =	shalt  }
0x6b: {  	_ =	shalt  }
0x6c: {  	_ =	shalt  }
0x6d: {  	_ =	shalt  }
0x6e: {  	_ =	shalt  }
0x6f: {  	_ =	shalt  }
0x70: {  	_ =	shalt  }
0x71: {  	_ =	shalt  }
0x72: {  	_ =	shalt  }
0x73: {  	_ =	shalt  }
0x74: {  	_ =	shalt  }
0x75: {  	_ =	shalt  }
0x76: {  	_ =	shalt  }
0x77: {  	_ =	shalt  }
0x78: {  	_ =	shalt  }
0x79: {  	_ =	shalt  }
0x7a: {  	_ =	shalt  }
0x7b: {  	_ =	shalt  }
0x7c: {  	_ =	shalt  }
0x7d: {  	_ =	shalt  }
0x7e: {  	_ =	shalt  }
0x7f: {  	_ =	shalt  }
0x80: {  	_ =	shalt  }
0x81: {  	_ =	shalt  }
0x82: {  	_ =	shalt  }
0x83: {  	_ =	shalt  }
0x84: {  	_ =	shalt  }
0x85: {  	_ =	shalt  }
0x86: {  	_ =	shalt  }
0x87: {  	_ =	shalt  }
.Lfunc_end0:
.L_simem_size_0:
called_computation_lowered:
.L_overlay_start_0:
0x88: {  	s2 =	sld [smem:$0x3FD9]  }
0x89: {  	s3 =	sld [smem:$0x3FFE];
	_ =	sdelay $0x1  }
0x8a: {  	s1 =	srdreg.scid  }
0x8b: {  	s0 =	sand.u32 $0x1, s1  }
0x8c: {  	s18 =	sshll.u32 s0, $0xA;
	s2 =	sadd.s32 s3, s2  }
0x8d: {  	s2 =	sadd.s32 s2, s18  }
0x8e: {  	[smem:$0x3FC3] =	sst s2  }
0x8f: {  	_ = 	snop  }
0x90: {  	s2 =	sld [smem:$0x3FC9]  }
0x91: {  	s19 =	sld [smem:$0x3FC8]  }
0x92: {  	s4 =	sld [smem:$0x3FC7]  }
0x93: {  	s5 =	sld [smem:$0x3FC6]  }
0x94: {  	s6 =	sld [smem:$0x3FC5]  }
0x95: {  	s7 =	sld [smem:$0x3FD0];
	(tm) =	ssettm $0x1  }
0x96: {  	s8 =	sld [smem:$0x3FFB];
	_ =	sdelay $0x3  }
0x97: {  	_ =	strace s8  }
0x98: {  	s8 =	sld [smem:$0x3FFC];
	_ =	sdelay $0x3  }
0x99: {  	_ =	strace s8  }
0x9a: {  	s8 =	sld [smem:$0x3FFD];
	_ =	sdelay $0x3  }
0x9b: {  	_ =	strace s8  }
0x9c: {  	_ =	strace $0x8FFFFFFF  }
0x9d: {  	s20 =	sld [smem:$0x3FDB];
	_ =	sdelay $0x1  }
0x9e: {  	s9 =	simm.s32 $_scs_section_size  }
0x9f: {  	s10 =	simm.s32 $_size__tile_overlayer_lowered;
	s11 =	simm.s32 $_tile_overlayer_lowered  }
0xa0: {  	s23 =	simm.s32 $0x1BFF;
	s22 =	sshll.u32 s11, $0x1;
	s8 =	sadd.s32 s9, s20  }
0xa1: {  	s12 =	simm.s32 $0x0;
	s21 =	sshll.u32 s10, $0x1;
	s10 =	sadd.s32 s22, s8  }
0xa2: {  	[timem:s12], [sflag:s23] =	dma.local [hbm:s10], s21  }
0xa3: {  	_ =	swait.ge [sflag:s23], s21  }
0xa4: {  	s9 =	ssub.s32 $0x0, s21;
	[sflag:s23] =	ssyncset.done $0x0  }
0xa5: {  	[sflag:s23] =	ssyncadd.s32 s9;
	_ =	sdelay $0x1  }
0xa6: {  	s24 =	simm.s32 $0x1B8B  }
0xa7: {  	_ =	swait.ge [sflag:s24], $0x1  }
0xa8: {  	[sflag:s24] =	ssyncset.done $0x0  }
0xa9: {  	s25 =	simm.s32 $0x1B8E;
	[sflag:s24] =	ssyncadd.s32 $0xFFFFFFFF  }
0xaa: {  	s26 =	simm.s32 $execute0_lowered;
	[smem:$0x3FD2] =	sst s25  }
0xab: {  	s9 =	sshll.u32 s26, $0x1;
	_ =	strace $0x80000046;
	[dreg:$0x1] =	wrdreg $0xFFFFFFFF  }
0xac: {  	s28 =	simm.s32 $_size_execute0_lowered;
	s8 =	sadd.s32 s8, s9;
	[dreg:$0x0] =	wrdreg $0x0  }
0xad: {  	s9 =	sshll.u32 s28, $0x1;
	[dreg:$0x2] =	wrdreg s8  }
0xae: {  	[dreg:$0x3] =	wrdreg s9  }
0xaf: {  	[dreg:$0x4] =	wrdreg $0xC0  }
0xb0: {  	_ =	task [dreg:s12], $0x5FFFF  }
0xb1: {  	[dreg:$0x1] =	wrdreg $0xFFFFFFFF  }
0xb2: {  	[dreg:$0x0] =	wrdreg $0x60  }
0xb3: {  	[dreg:$0x2] =	wrdreg s2  }
0xb4: {  	[dreg:$0x3] =	wrdreg s19  }
0xb5: {  	[dreg:$0x4] =	wrdreg s4  }
0xb6: {  	[dreg:$0x5] =	wrdreg s5  }
0xb7: {  	[dreg:$0x6] =	wrdreg s6  }
0xb8: {  	[dreg:$0x7] =	wrdreg s7  }
0xb9: {  	[dreg:$0x8] =	wrdreg $0x9  }
0xba: {  	_ =	task.clear_ibuf [dreg:s12], $0x9FFFF;
	_ =	strace $0x90000046  }
0xbb: {  	s29 =	simm.s32 $0x9;
	_ =	strace $0x80000048  }
0xbc: {  	_ =	swait.ge [sflag:s29], $0x1  }
0xbd: {  	[sflag:s29] =	ssyncadd.s32 $0xFFFFFFFF  }
0xbe: {  	_ =	strace $0x90000048  }
0xbf: {  	_ =	sfence  }
0xc0: {  	s30 =	sld [smem:$0x0];
	_ =	sdelay $0x2  }
0xc1: {  	s31 =	sshll.u32 s1, $0xD;
	s1 =	sshrl.u32 s1, $0x2  }
0xc2: {  	s3 =	sand.u32 $0x4000, s31;
	s1 =	sadd.s32 s1, s30  }
0xc3: {  	s0 =	sor.u32 s3, s0;
	s1 =	sshll.u32 s1, $0x11  }
0xc4: {  	s0 =	sor.u32 s1, s0  }
0xc5: {  	s0 =	sadd.s32 $0x8F2B, s0  }
0xc6: {  	[sflag:s0] =	ssyncadd.remote.s32 $0x1  }
0xc7: {  	_ =	sfence.sel $0xFFFF  }
0xc8: {  	[dreg:$0x0] =	wrdreg $0xFFFFFFFF;
	(pc) =	sbr.abs _section_cstart, $3  }
0xc9: {  	[dreg:$0x1] =	wrdreg $0xFFFFFFFF  }
0xca: {  	_ =	task.clear_ibuf [dreg:s12], $0x2FFFF;
	_ =	strace $0x9FFFFFFF  }
0xcb: {  	(tm) =	ssettm $0x7FFFFFFF  }
tec
execute0_lowered:
.L_overlay_start_1:
0x0: {  	(tag) =	ssettag $0x1  }
0x1: {  	s0 =	rddreg [dreg:$0x0]  }
0x2: {  	s1 =	rddreg [dreg:$0x1]  }
0x3: {  	s3 =	rddreg [dreg:$0x2]  }
0x4: {  	s2 =	rddreg [dreg:$0x3]  }
0x5: {  	s4 =	srdreg.scid;
	s8 =	rddreg [dreg:$0x4]  }
0x6: {  	s6 =	stileid.u32;
	s5 =	rddreg [dreg:$0x5];
	s18 =	simm.s32 $0x7  }
0x7: {  	s23 =	simm.s32 $0x2;
	s28 =	simm.s32 $0xC100;
	s29 =	simm.s32 $0x4  }
0x8: {  	s30 =	simm.s32 $0x6;
	s31 =	simm.s32 $0xF100;
	s19 =	simm.s32 $0x0  }
0x9: {  	s4 =	sand.u32 $0x1, s4;
	s6 =	sshll.u32 s6, $0x6;
	s12 =	sadd.s32 $0x100, s3  }
0xa: {  	s16 =	sadd.s32 $0xC000, s5;
	s7 =	sshll.u32 s4, $0x5;
	s4 =	ssub.s32 $0x2, s4  }
0xb: {  	s6 =	sor.u32 s7, s6;
	s7 =	simm.s32 $0x0;
	s10 =	sshrl.u32 s4, $0x1  }
0xc: {  	s9 =	sshrl.u32 s6, $0x3;
	[smem:$0x7FF] =	sst s7;
	s4 =	ssub.s32 s4, s10  }
0xd: {  	s14 =	sor.u32 $0x800, s6;
	s11 =	smul.u32 $0x180, s9;
	s2 =	sadd.s32 s2, s9  }
0xe: {  	_ =	strace $0x80000047;
	s24 =	sadd.s32 s8, s9;
	[dreg:$0x7] =	wrdreg s2  }
.Ltmp0:
0xf: {  	s26 =	smax.u32 s4, $0x1;
	[dreg:$0x8] =	wrdreg s24;
	(pc) =	sbr.rel .LBB2_1-.Ltmp0, $4  }
0x10: {  	s15 =	sor.u32 $0xC00, s6;
	s4 =	simm.s32 $0x5;
	[dreg:$0xb] =	wrdreg s26  }
0x11: {  	v2 =	vlaneseq.u32;
	s24 =	simm.s32 $0x6100;
	s26 =	simm.s32 $0x3;
	s25 =	sadd.s32 s0, s11  }
0x12: {  	vm0 =	vmmov $0xffff;
	vm1 =	vmmov $0xff;
	v1 =	vshrl.u32 v2, $0x3;
	s11 =	sadd.s32 $0x100, s1;
	[dreg:$0x9] =	wrdreg s25;
	s2 =	sadd.s32 $0xC000, s25  }
0x13: {  	v0 =	vand.u32 $0x7, v2;
	v2 =	vor.u32 $0x8, v2;
	v1 =	vmul.u32 $0x8, v1;
	s25 =	simm.s32 $0x9100;
	[dreg:$0xa] =	wrdreg s2;
	s2 =	simm.s32 $0x0  }
.LBB2_14:
0x14: {  	_ =	swait.ge [sflag:s4], $0x3000  }
0x15: {  	[sflag:s4] =	ssyncset.done $0x0  }
0x16: {  	[sflag:s4] =	ssyncadd.s32 $0xFFFFD000  }
0x17: {  	_ =	swait.ge [sflag:s30], $0x3000  }
0x18: {  	s2 =	sadd.s32 $0x1, s2;
	s8 =	rddreg [dreg:$0xb]  }
0x19: {  	p0 =	sne.s32 s2, s8  }
.Ltmp1:
0x1a: {  	_ = 	snop;
	(pc) =	sbr.rel @!p0 .LBB2_15-.Ltmp1, $3  }
0x1b: {  	_ =	sdelay $0x1  }
0x1c: {  	[sflag:s30] =	ssyncset.done $0x0  }
0x1d: {  	[sflag:s30] =	ssyncadd.s32 $0xFFFFD000  }
.LBB2_1:
0x1e: {  	s8 =	rddreg [dreg:$0x7]  }
0x1f: {  	[tilespmem:s7], [sflag:$0x7] =	stream.linear.gather [hbm4b:s8+s7], $0x20, $0x38;
	[tilespmem:$0x12100] =	vst v63  }
0x20: {  	_ =	swait.ge [sflag:s18], $0x20  }
0x21: {  	[sflag:s18] =	ssyncset.done $0x0  }
0x22: {  	s9 =	simm.s32 $0x80;
	s10 =	rddreg [dreg:$0x8];
	[sflag:s18] =	ssyncadd.s32 $0xFFFFFFE0  }
0x23: {  	[tilespmem:s9], [sflag:$0x7] =	stream.linear.gather [hbm4b:s10+s7], $0x20, $0x38;
	[tilespmem:$0x12100] =	vst v63  }
0x24: {  	_ =	swait.ge [sflag:s18], $0x20  }
0x25: {  	[sflag:s18] =	ssyncset.done $0x0  }
0x26: {  	[sflag:s18] =	ssyncadd.s32 $0xFFFFFFE0  }
0x27: {  	v3 =	vld [tilespmem:$0x0];
	_ =	sdelay $0x4  }
0x28: {  	v4 =	vshrl.u32 v3, $0x3  }
0x29: {  	v4 =	vmul.u32 $0x18, v4  }
0x2a: {  	v3 =	vand.u32 $0x7, v3  }
0x2b: {  	v3 =	vor.u32 v3, v4  }
0x2c: {  	v4 =	vperm.xlane v3, v0;
	_ =	sdelay $0x1  }
0x2d: {  	v4 =	vadd.s32 v1, v4;
	_ =	sdelay $0x1  }
0x2e: {  	v3 =	vperm.xlane v3, v2;
	_ =	sdelay $0x1  }
0x2f: {  	s13 =	simm.s32 $0x100;
	v3 =	vadd.s32 v1, v3  }
0x30: {  	[tilespmem:s13], [sflag:$0x1] =	stream.indirect_vreg.gather [hbm4b:s1+s7], $0x80, v4, vm0, $0xb8;
	[tilespmem:$0x12100] =	vst v63  }
0x31: {  	s17 =	simm.s32 $0x900  }
0x32: {  	[tilespmem:s17], [sflag:$0x1] =	stream.indirect_vreg.gather [hbm4b:s11+s7], $0x80, v4, vm1, $0xb8;
	[tilespmem:$0x12100] =	vst v63  }
0x33: {  	s20 =	simm.s32 $0xD00  }
0x34: {  	[tilespmem:s20], [sflag:$0x1] =	stream.indirect_vreg.gather [hbm4b:s1+s7], $0x80, v3, vm0, $0xb8;
	[tilespmem:$0x12100] =	vst v63  }
0x35: {  	s21 =	simm.s32 $0x1500  }
0x36: {  	[tilespmem:s21], [sflag:$0x1] =	stream.indirect_vreg.gather [hbm4b:s11+s7], $0x80, v3, vm1, $0xb8;
	[tilespmem:$0x12100] =	vst v63  }
0x37: {  	v3 =	vld [tilespmem:$0x10];
	_ =	sdelay $0x4  }
0x38: {  	v4 =	vshrl.u32 v3, $0x3  }
0x39: {  	v4 =	vmul.u32 $0x18, v4  }
0x3a: {  	v3 =	vand.u32 $0x7, v3  }
0x3b: {  	v3 =	vor.u32 v3, v4  }
0x3c: {  	v4 =	vperm.xlane v3, v0;
	_ =	sdelay $0x1  }
0x3d: {  	v4 =	vadd.s32 v1, v4;
	_ =	sdelay $0x1  }
0x3e: {  	v3 =	vperm.xlane v3, v2;
	_ =	sdelay $0x1  }
0x3f: {  	s22 =	simm.s32 $0x1900;
	v3 =	vadd.s32 v1, v3  }
0x40: {  	[tilespmem:s22], [sflag:$0x1] =	stream.indirect_vreg.gather [hbm4b:s1+s7], $0x80, v4, vm0, $0xb8;
	[tilespmem:$0x12100] =	vst v63  }
0x41: {  	s9 =	simm.s32 $0x2100  }
0x42: {  	[tilespmem:s9], [sflag:$0x1] =	stream.indirect_vreg.gather [hbm4b:s11+s7], $0x80, v4, vm1, $0xb8;
	[tilespmem:$0x12100] =	vst v63  }
0x43: {  	s10 =	simm.s32 $0x2500  }
0x44: {  	[tilespmem:s10], [sflag:$0x1] =	stream.indirect_vreg.gather [hbm4b:s1+s7], $0x80, v3, vm0, $0xb8;
	[tilespmem:$0x12100] =	vst v63  }
0x45: {  	s13 =	simm.s32 $0x2D00  }
0x46: {  	[tilespmem:s13], [sflag:$0x1] =	stream.indirect_vreg.gather [hbm4b:s11+s7], $0x80, v3, vm1, $0xb8;
	[tilespmem:$0x12100] =	vst v63  }
0x47: {  	v3 =	vld [tilespmem:$0x80];
	_ =	sdelay $0x4  }
0x48: {  	v4 =	vshrl.u32 v3, $0x3  }
0x49: {  	v4 =	vmul.u32 $0x18, v4  }
0x4a: {  	v3 =	vand.u32 $0x7, v3  }
0x4b: {  	v3 =	vor.u32 v3, v4  }
0x4c: {  	v4 =	vperm.xlane v3, v0;
	_ =	sdelay $0x1  }
0x4d: {  	v4 =	vadd.s32 v1, v4;
	_ =	sdelay $0x1  }
0x4e: {  	v3 =	vperm.xlane v3, v2;
	_ =	sdelay $0x1  }
0x4f: {  	s17 =	simm.s32 $0x3100;
	v3 =	vadd.s32 v1, v3  }
0x50: {  	[tilespmem:s17], [sflag:$0x2] =	stream.indirect_vreg.gather [hbm4b:s3+s7], $0x80, v4, vm0, $0xb8;
	[tilespmem:$0x12100] =	vst v63  }
0x51: {  	s20 =	simm.s32 $0x3900  }
0x52: {  	[tilespmem:s20], [sflag:$0x2] =	stream.indirect_vreg.gather [hbm4b:s12+s7], $0x80, v4, vm1, $0xb8;
	[tilespmem:$0x12100] =	vst v63  }
0x53: {  	s21 =	simm.s32 $0x3D00  }
0x54: {  	[tilespmem:s21], [sflag:$0x2] =	stream.indirect_vreg.gather [hbm4b:s3+s7], $0x80, v3, vm0, $0xb8;
	[tilespmem:$0x12100] =	vst v63  }
0x55: {  	s22 =	simm.s32 $0x4500  }
0x56: {  	[tilespmem:s22], [sflag:$0x2] =	stream.indirect_vreg.gather [hbm4b:s12+s7], $0x80, v3, vm1, $0xb8;
	[tilespmem:$0x12100] =	vst v63  }
0x57: {  	v3 =	vld [tilespmem:$0x90];
	_ =	sdelay $0x4  }
0x58: {  	v4 =	vshrl.u32 v3, $0x3  }
0x59: {  	v4 =	vmul.u32 $0x18, v4  }
0x5a: {  	v3 =	vand.u32 $0x7, v3  }
0x5b: {  	v3 =	vor.u32 v3, v4  }
0x5c: {  	v4 =	vperm.xlane v3, v0;
	_ =	sdelay $0x1  }
0x5d: {  	v4 =	vadd.s32 v1, v4;
	_ =	sdelay $0x1  }
0x5e: {  	v3 =	vperm.xlane v3, v2;
	_ =	sdelay $0x1  }
0x5f: {  	s9 =	simm.s32 $0x4900;
	v3 =	vadd.s32 v1, v3  }
0x60: {  	[tilespmem:s9], [sflag:$0x2] =	stream.indirect_vreg.gather [hbm4b:s3+s7], $0x80, v4, vm0, $0xb8;
	[tilespmem:$0x12100] =	vst v63  }
0x61: {  	s10 =	simm.s32 $0x5100  }
0x62: {  	[tilespmem:s10], [sflag:$0x2] =	stream.indirect_vreg.gather [hbm4b:s12+s7], $0x80, v4, vm1, $0xb8;
	[tilespmem:$0x12100] =	vst v63  }
0x63: {  	s13 =	simm.s32 $0x5500  }
0x64: {  	[tilespmem:s13], [sflag:$0x2] =	stream.indirect_vreg.gather [hbm4b:s3+s7], $0x80, v3, vm0, $0xb8;
	[tilespmem:$0x12100] =	vst v63  }
0x65: {  	s17 =	simm.s32 $0x5D00;
	s20 =	simm.s32 $0x1  }
0x66: {  	[tilespmem:s17], [sflag:$0x2] =	stream.indirect_vreg.gather [hbm4b:s12+s7], $0x80, v3, vm1, $0xb8;
	[tilespmem:$0x12100] =	vst v63  }
0x67: {  	_ =	swait.ge [sflag:s20], $0x3000  }
0x68: {  	[sflag:s20] =	ssyncset.done $0x0  }
0x69: {  	s21 =	simm.s32 $0x0;
	[sflag:s20] =	ssyncadd.s32 $0xFFFFD000  }
0x6a: {  	s8 =	smul.u32 $0xC00, s21;
	_ =	swait.ge [sflag:s23], $0x3000  }
0x6b: {  	s22 =	sand.u32 $0x380, s7;
	[sflag:s23] =	ssyncset.done $0x0  }
0x6c: {  	s8 =	sor.u32 s22, s8;
	[sflag:s23] =	ssyncadd.s32 $0xFFFFD000  }
0x6d: {  	v3 =	vld [tilespmem:s8+$0x3100]  }
0x6e: {  	v12 =	vld [tilespmem:s8+$0x3110]  }
0x6f: {  	v13 =	vld [tilespmem:s8+$0x3120]  }
0x70: {  	v14 =	vld [tilespmem:s8+$0x3130]  }
0x71: {  	v15 =	vld [tilespmem:s8+$0x3140]  }
0x72: {  	v16 =	vld [tilespmem:s8+$0x3150]  }
0x73: {  	v17 =	vld [tilespmem:s8+$0x3160]  }
0x74: {  	v18 =	vld [tilespmem:s8+$0x3170]  }
0x75: {  	v19 =	vld [tilespmem:s8+$0x3500]  }
0x76: {  	v20 =	vld [tilespmem:s8+$0x3510]  }
0x77: {  	v21 =	vld [tilespmem:s8+$0x3520]  }
0x78: {  	v22 =	vld [tilespmem:s8+$0x3530]  }
0x79: {  	v23 =	vld [tilespmem:s8+$0x3540]  }
0x7a: {  	v24 =	vld [tilespmem:s8+$0x3550]  }
0x7b: {  	v25 =	vld [tilespmem:s8+$0x3560]  }
0x7c: {  	v11 =	vld [tilespmem:s8+$0x3570]  }
0x7d: {  	v10 =	vld [tilespmem:s8+$0x3900]  }
0x7e: {  	v9 =	vld [tilespmem:s8+$0x3910]  }
0x7f: {  	v8 =	vld [tilespmem:s8+$0x3920]  }
0x80: {  	v7 =	vld [tilespmem:s8+$0x3930]  }
0x81: {  	v6 =	vld [tilespmem:s8+$0x3940]  }
0x82: {  	v26 =	vld [tilespmem:s8+$0x100]  }
0x83: {  	v27 =	vld [tilespmem:s8+$0x110]  }
0x84: {  	v5 =	vld [tilespmem:s8+$0x3950]  }
0x85: {  	v28 =	vld [tilespmem:s8+$0x120]  }
0x86: {  	v4 =	vld [tilespmem:s8+$0x3960]  }
0x87: {  	v29 =	vld [tilespmem:s8+$0x130]  }
0x88: {  	v59 =	vld [tilespmem:s8+$0x140]  }
0x89: {  	v60 =	vld [tilespmem:s8+$0x150]  }
0x8a: {  	v61 =	vld [tilespmem:s8+$0x160];
	v26 =	vadd.f32 v3, v26  }
0x8b: {  	v62 =	vld [tilespmem:s8+$0x170];
	v12 =	vadd.f32 v12, v27  }
0x8c: {  	v63 =	vld [tilespmem:s8+$0x540];
	v13 =	vadd.f32 v13, v28;
	[tilespmem:s8+$0x100] =	vst v26  }
0x8d: {  	v3 =	vld [tilespmem:s8+$0x3970];
	v14 =	vadd.f32 v14, v29;
	[tilespmem:s8+$0x110] =	vst v12  }
0x8e: {  	v15 =	vadd.f32 v15, v59;
	v12 =	vld [tilespmem:s8+$0x500];
	[tilespmem:s8+$0x120] =	vst v13  }
0x8f: {  	v16 =	vadd.f32 v16, v60;
	v13 =	vld [tilespmem:s8+$0x510];
	[tilespmem:s8+$0x130] =	vst v14  }
0x90: {  	v17 =	vadd.f32 v17, v61;
	v14 =	vld [tilespmem:s8+$0x520];
	[tilespmem:s8+$0x140] =	vst v15  }
0x91: {  	v15 =	vld [tilespmem:s8+$0x530];
	[tilespmem:s8+$0x150] =	vst v16;
	v16 =	vadd.f32 v18, v62  }
0x92: {  	[tilespmem:s8+$0x160] =	vst v17;
	v17 =	vld [tilespmem:s8+$0x550];
	v18 =	vadd.f32 v23, v63  }
0x93: {  	[tilespmem:s8+$0x170] =	vst v16;
	v12 =	vadd.f32 v19, v12;
	v19 =	vld [tilespmem:s8+$0x560]  }
0x94: {  	v16 =	vld [tilespmem:s8+$0x570];
	[tilespmem:s8+$0x540] =	vst v18;
	v13 =	vadd.f32 v20, v13  }
0x95: {  	v14 =	vadd.f32 v21, v14;
	[tilespmem:s8+$0x500] =	vst v12;
	v12 =	vld [tilespmem:s8+$0x900]  }
0x96: {  	v15 =	vadd.f32 v22, v15;
	[tilespmem:s8+$0x510] =	vst v13;
	v13 =	vld [tilespmem:s8+$0x910]  }
0x97: {  	v18 =	vadd.f32 v24, v17;
	[tilespmem:s8+$0x520] =	vst v14;
	v14 =	vld [tilespmem:s8+$0x920]  }
0x98: {  	s9 =	simm.s32 $0x1;
	s13 =	simm.s32 $0x0;
	[tilespmem:s8+$0x530] =	vst v15;
	v15 =	vld [tilespmem:s8+$0x930];
	v17 =	vadd.f32 v25, v19  }
.LBB2_2:
0x99: {  	s10 =	sshrl.u32 s9, $0x3;
	p0 =	sne.s32 s9, $0x1F;
	[tilespmem:s8+$0x550] =	vst v18;
	v11 =	vadd.f32 v11, v16;
	v16 =	vld [tilespmem:s8+$0x940]  }
0x9a: {  	s13 =	sadd.s32 $0x80, s13;
	s10 =	smul.u32 $0xC00, s10;
	[tilespmem:s8+$0x560] =	vst v17;
	v10 =	vadd.f32 v10, v12;
	v12 =	vld [tilespmem:s8+$0x950]  }
0x9b: {  	s17 =	sand.u32 $0x380, s13;
	[tilespmem:s8+$0x570] =	vst v11;
	v9 =	vadd.f32 v9, v13;
	v11 =	vld [tilespmem:s8+$0x960]  }
0x9c: {  	s10 =	sor.u32 s17, s10;
	[tilespmem:s8+$0x900] =	vst v10;
	v8 =	vadd.f32 v8, v14;
	v10 =	vld [tilespmem:s8+$0x970]  }
0x9d: {  	v13 =	vld [tilespmem:s10+$0x3100];
	[tilespmem:s8+$0x910] =	vst v9;
	v7 =	vadd.f32 v7, v15  }
0x9e: {  	v14 =	vld [tilespmem:s10+$0x3110];
	[tilespmem:s8+$0x920] =	vst v8;
	v6 =	vadd.f32 v6, v16  }
0x9f: {  	v15 =	vld [tilespmem:s10+$0x3120];
	[tilespmem:s8+$0x930] =	vst v7;
	v5 =	vadd.f32 v5, v12  }
0xa0: {  	v12 =	vld [tilespmem:s10+$0x3130];
	[tilespmem:s8+$0x940] =	vst v6;
	v4 =	vadd.f32 v4, v11  }
0xa1: {  	v16 =	vld [tilespmem:s10+$0x3140];
	[tilespmem:s8+$0x950] =	vst v5;
	v3 =	vadd.f32 v3, v10  }
0xa2: {  	v17 =	vld [tilespmem:s10+$0x3150];
	[tilespmem:s8+$0x960] =	vst v4  }
0xa3: {  	v18 =	vld [tilespmem:s10+$0x3160];
	[tilespmem:s8+$0x970] =	vst v3;
	s8 =	smov.u32 s10  }
0xa4: {  	v19 =	vld [tilespmem:s8+$0x3170]  }
0xa5: {  	v20 =	vld [tilespmem:s8+$0x3500]  }
0xa6: {  	v21 =	vld [tilespmem:s8+$0x3510]  }
0xa7: {  	v22 =	vld [tilespmem:s8+$0x3520]  }
0xa8: {  	v23 =	vld [tilespmem:s8+$0x3530]  }
0xa9: {  	v24 =	vld [tilespmem:s8+$0x3540]  }
0xaa: {  	v25 =	vld [tilespmem:s8+$0x3550]  }
0xab: {  	v26 =	vld [tilespmem:s8+$0x3560]  }
0xac: {  	v11 =	vld [tilespmem:s8+$0x3570]  }
0xad: {  	v10 =	vld [tilespmem:s8+$0x3900]  }
0xae: {  	v9 =	vld [tilespmem:s8+$0x3910]  }
0xaf: {  	v8 =	vld [tilespmem:s8+$0x3920]  }
0xb0: {  	v7 =	vld [tilespmem:s8+$0x3930]  }
0xb1: {  	v6 =	vld [tilespmem:s8+$0x3940]  }
0xb2: {  	v5 =	vld [tilespmem:s8+$0x3950]  }
0xb3: {  	v4 =	vld [tilespmem:s8+$0x3960]  }
0xb4: {  	v3 =	vld [tilespmem:s8+$0x3970]  }
0xb5: {  	v27 =	vld [tilespmem:s8+$0x100]  }
0xb6: {  	v28 =	vld [tilespmem:s8+$0x110]  }
0xb7: {  	v29 =	vld [tilespmem:s8+$0x120]  }
0xb8: {  	v30 =	vld [tilespmem:s8+$0x130]  }
0xb9: {  	v31 =	vld [tilespmem:s8+$0x140]  }
0xba: {  	v13 =	vadd.f32 v13, v27;
	v27 =	vld [tilespmem:s8+$0x150]  }
0xbb: {  	v14 =	vadd.f32 v14, v28;
	v28 =	vld [tilespmem:s8+$0x160]  }
0xbc: {  	[tilespmem:s8+$0x100] =	vst v13;
	v13 =	vadd.f32 v15, v29;
	v15 =	vld [tilespmem:s8+$0x170]  }
0xbd: {  	[tilespmem:s8+$0x110] =	vst v14;
	v12 =	vadd.f32 v12, v30;
	v14 =	vld [tilespmem:s8+$0x500]  }
0xbe: {  	[tilespmem:s8+$0x120] =	vst v13;
	v13 =	vadd.f32 v16, v31;
	v16 =	vld [tilespmem:s8+$0x510]  }
0xbf: {  	[tilespmem:s8+$0x130] =	vst v12;
	v12 =	vadd.f32 v17, v27;
	v17 =	vld [tilespmem:s8+$0x520]  }
0xc0: {  	[tilespmem:s8+$0x140] =	vst v13;
	v13 =	vadd.f32 v18, v28;
	v18 =	vld [tilespmem:s8+$0x530]  }
0xc1: {  	[tilespmem:s8+$0x150] =	vst v12;
	v12 =	vadd.f32 v19, v15;
	v15 =	vld [tilespmem:s8+$0x540]  }
0xc2: {  	[tilespmem:s8+$0x160] =	vst v13;
	v13 =	vadd.f32 v20, v14;
	v14 =	vld [tilespmem:s8+$0x550]  }
0xc3: {  	[tilespmem:s8+$0x170] =	vst v12;
	v12 =	vadd.f32 v21, v16;
	v19 =	vld [tilespmem:s8+$0x560]  }
.Ltmp2:
0xc4: {  	[tilespmem:s8+$0x500] =	vst v13;
	v13 =	vadd.f32 v22, v17;
	v16 =	vld [tilespmem:s8+$0x570];
	(pc) =	sbr.rel @p0 .LBB2_2-.Ltmp2, $4  }
0xc5: {  	[tilespmem:s8+$0x510] =	vst v12;
	v17 =	vadd.f32 v23, v18;
	v12 =	vld [tilespmem:s8+$0x900]  }
0xc6: {  	[tilespmem:s8+$0x520] =	vst v13;
	v15 =	vadd.f32 v24, v15;
	v13 =	vld [tilespmem:s8+$0x910]  }
0xc7: {  	[tilespmem:s8+$0x530] =	vst v17;
	v18 =	vadd.f32 v25, v14;
	v14 =	vld [tilespmem:s8+$0x920]  }
0xc8: {  	s9 =	sadd.s32 $0x1, s9;
	[tilespmem:s8+$0x540] =	vst v15;
	v17 =	vadd.f32 v26, v19;
	v15 =	vld [tilespmem:s8+$0x930]  }
0xc9: {  	[tilespmem:s8+$0x550] =	vst v18;
	v60 =	vld [tilespmem:s8+$0x940];
	v11 =	vadd.f32 v11, v16  }
0xca: {  	v61 =	vld [tilespmem:s8+$0x950];
	[tilespmem:s8+$0x560] =	vst v17;
	v10 =	vadd.f32 v10, v12  }
0xcb: {  	v62 =	vld [tilespmem:s8+$0x960];
	[tilespmem:s8+$0x570] =	vst v11;
	v9 =	vadd.f32 v9, v13  }
0xcc: {  	v63 =	vld [tilespmem:s8+$0x970];
	[tilespmem:s8+$0x900] =	vst v10;
	v8 =	vadd.f32 v8, v14  }
0xcd: {  	[tilespmem:s8+$0x910] =	vst v9;
	v7 =	vadd.f32 v7, v15  }
0xce: {  	[tilespmem:s8+$0x920] =	vst v8;
	v6 =	vadd.f32 v6, v60  }
0xcf: {  	v5 =	vadd.f32 v5, v61;
	[tilespmem:s8+$0x930] =	vst v7  }
0xd0: {  	v4 =	vadd.f32 v4, v62;
	[tilespmem:s8+$0x940] =	vst v6  }
0xd1: {  	v3 =	vadd.f32 v3, v63;
	[tilespmem:s8+$0x950] =	vst v5  }
0xd2: {  	[tilespmem:s8+$0x960] =	vst v4  }
0xd3: {  	s21 =	rddreg [dreg:$0x9];
	[tilespmem:s8+$0x970] =	vst v3  }
0xd4: {  	[tilespmem:s24], [sflag:$0x3] =	stream.linear.gather [hbm4b:s21+s19], $0x3000, $0x38;
	[tilespmem:$0x12100] =	vst v63  }
0xd5: {  	s22 =	rddreg [dreg:$0xa];
	s20 =	simm.s32 $0x0  }
0xd6: {  	[tilespmem:s25], [sflag:$0x4] =	stream.linear.gather [hbm4b:s22+s19], $0x3000, $0x38;
	[tilespmem:$0x12100] =	vst v63  }
.LBB2_4:
0xd7: {  	_ =	swait.ge [sflag:s26], $0x3000  }
0xd8: {  	p0 =	seq.s32 s20, $0x0;
	[sflag:s26] =	ssyncset.done $0x0  }
0xd9: {  	s9 =	simm.s32 $0x0;
	s8 =	simm.s32 @!p0 $0x5;
	[sflag:s26] =	ssyncadd.s32 $0xFFFFD000  }
0xda: {  	s9 =	smul.u32 $0xC00, s9;
	_ =	swait.ge @!p0 [sflag:s8], $0x3000  }
0xdb: {  	s10 =	sand.u32 $0x380, s19;
	[sflag:s8] =	ssyncset.done @!p0 $0x0  }
0xdc: {  	s9 =	sor.u32 s10, s9;
	[sflag:s8] =	ssyncadd.s32 @!p0 $0xFFFFD000  }
0xdd: {  	v3 =	vld [tilespmem:s9+$0x6970]  }
0xde: {  	v4 =	vld [tilespmem:s9+$0x970]  }
0xdf: {  	v5 =	vld [tilespmem:s9+$0x6100]  }
0xe0: {  	v6 =	vld [tilespmem:s9+$0x100]  }
0xe1: {  	v7 =	vld [tilespmem:s9+$0x6110]  }
0xe2: {  	v8 =	vld [tilespmem:s9+$0x110]  }
0xe3: {  	v9 =	vld [tilespmem:s9+$0x6120]  }
0xe4: {  	v10 =	vld [tilespmem:s9+$0x6130];
	v3 =	vadd.f32 v4, v3  }
0xe5: {  	v4 =	vld [tilespmem:s9+$0x120]  }
0xe6: {  	v5 =	vadd.f32 v6, v5;
	[tilespmem:s9+$0xC970] =	vst v3;
	v3 =	vld [tilespmem:s9+$0x130]  }
0xe7: {  	v6 =	vld [tilespmem:s9+$0x6140]  }
0xe8: {  	[tilespmem:s9+$0xC100] =	vst v5;
	v5 =	vadd.f32 v8, v7;
	v7 =	vld [tilespmem:s9+$0x140]  }
0xe9: {  	v8 =	vld [tilespmem:s9+$0x150]  }
0xea: {  	[tilespmem:s9+$0xC110] =	vst v5;
	v5 =	vld [tilespmem:s9+$0x6150];
	v4 =	vadd.f32 v4, v9  }
0xeb: {  	v9 =	vld [tilespmem:s9+$0x160];
	v3 =	vadd.f32 v3, v10  }
0xec: {  	[tilespmem:s9+$0xC120] =	vst v4;
	v4 =	vld [tilespmem:s9+$0x6160]  }
0xed: {  	[tilespmem:s9+$0xC130] =	vst v3;
	v3 =	vadd.f32 v7, v6;
	v6 =	vld [tilespmem:s9+$0x6170]  }
0xee: {  	v7 =	vld [tilespmem:s9+$0x170]  }
0xef: {  	[tilespmem:s9+$0xC140] =	vst v3;
	v3 =	vadd.f32 v8, v5;
	v5 =	vld [tilespmem:s9+$0x6500]  }
0xf0: {  	v8 =	vld [tilespmem:s9+$0x500]  }
0xf1: {  	[tilespmem:s9+$0xC150] =	vst v3;
	v3 =	vadd.f32 v9, v4;
	v4 =	vld [tilespmem:s9+$0x6510]  }
0xf2: {  	v9 =	vld [tilespmem:s9+$0x510]  }
0xf3: {  	[tilespmem:s9+$0xC160] =	vst v3;
	v3 =	vadd.f32 v7, v6;
	v6 =	vld [tilespmem:s9+$0x6520]  }
0xf4: {  	v7 =	vld [tilespmem:s9+$0x520]  }
0xf5: {  	[tilespmem:s9+$0xC170] =	vst v3;
	v3 =	vadd.f32 v8, v5;
	v5 =	vld [tilespmem:s9+$0x6530]  }
0xf6: {  	v8 =	vld [tilespmem:s9+$0x530]  }
0xf7: {  	[tilespmem:s9+$0xC500] =	vst v3;
	v3 =	vadd.f32 v9, v4;
	v4 =	vld [tilespmem:s9+$0x6540]  }
0xf8: {  	v9 =	vld [tilespmem:s9+$0x540]  }
0xf9: {  	[tilespmem:s9+$0xC510] =	vst v3;
	v3 =	vadd.f32 v7, v6;
	v6 =	vld [tilespmem:s9+$0x6550]  }
0xfa: {  	v7 =	vld [tilespmem:s9+$0x550]  }
0xfb: {  	[tilespmem:s9+$0xC520] =	vst v3;
	v3 =	vadd.f32 v8, v5;
	v5 =	vld [tilespmem:s9+$0x6560]  }
0xfc: {  	v8 =	vld [tilespmem:s9+$0x560]  }
0xfd: {  	[tilespmem:s9+$0xC530] =	vst v3;
	v3 =	vadd.f32 v9, v4;
	v4 =	vld [tilespmem:s9+$0x6570]  }
0xfe: {  	v9 =	vld [tilespmem:s9+$0x570]  }
0xff: {  	[tilespmem:s9+$0xC540] =	vst v3;
	v3 =	vadd.f32 v7, v6;
	v6 =	vld [tilespmem:s9+$0x6900]  }
0x100: {  	v7 =	vld [tilespmem:s9+$0x900]  }
0x101: {  	[tilespmem:s9+$0xC550] =	vst v3;
	v3 =	vadd.f32 v8, v5;
	v5 =	vld [tilespmem:s9+$0x6910]  }
0x102: {  	v8 =	vld [tilespmem:s9+$0x910]  }
0x103: {  	v10 =	vld [tilespmem:s9+$0x920]  }
0x104: {  	[tilespmem:s9+$0xC560] =	vst v3;
	v3 =	vadd.f32 v9, v4;
	v9 =	vld [tilespmem:s9+$0x6920]  }
0x105: {  	v4 =	vld [tilespmem:s9+$0x6930]  }
0x106: {  	[tilespmem:s9+$0xC570] =	vst v3;
	v3 =	vadd.f32 v7, v6;
	v7 =	vld [tilespmem:s9+$0x930]  }
0x107: {  	v6 =	vadd.f32 v8, v5;
	v5 =	vld [tilespmem:s9+$0x940]  }
0x108: {  	[tilespmem:s9+$0xC900] =	vst v3;
	v3 =	vld [tilespmem:s9+$0x6940]  }
0x109: {  	s21 =	sshll.u32 s20, $0xB;
	s22 =	simm.s32 $0x0;
	s17 =	simm.s32 $0x2;
	v8 =	vld [tilespmem:s9+$0x950];
	v9 =	vadd.f32 v10, v9  }
0x10a: {  	s13 =	simm.s32 $0x80;
	s10 =	smul.u32 $0xC00, s22;
	s8 =	sor.u32 s6, s21;
	[tilespmem:s9+$0xC910] =	vst v6;
	v6 =	vld [tilespmem:s9+$0x6950]  }
.LBB2_5:
0x10b: {  	p1 =	sne.s32 s17, $0x1F;
	s22 =	sand.u32 $0x380, s13;
	[tilespmem:s9+$0xC920] =	vst v9;
	v4 =	vadd.f32 v7, v4;
	v7 =	vld [tilespmem:s9+$0x6960]  }
0x10c: {  	s10 =	sor.u32 s22, s10;
	v9 =	vld [tilespmem:s9+$0x960]  }
0x10d: {  	v10 =	vld [tilespmem:s10+$0x6970];
	[tilespmem:s9+$0xC930] =	vst v4;
	v3 =	vadd.f32 v5, v3  }
0x10e: {  	v4 =	vld [tilespmem:s10+$0x970]  }
0x10f: {  	v5 =	vld [tilespmem:s10+$0x6100];
	[tilespmem:s9+$0xC940] =	vst v3;
	v3 =	vadd.f32 v8, v6  }
0x110: {  	v6 =	vld [tilespmem:s10+$0x100]  }
0x111: {  	v8 =	vld [tilespmem:s10+$0x6110];
	[tilespmem:s9+$0xC950] =	vst v3;
	v3 =	vadd.f32 v9, v7  }
0x112: {  	v7 =	vld [tilespmem:s10+$0x110]  }
0x113: {  	v9 =	vld [tilespmem:s10+$0x6120];
	v4 =	vadd.f32 v4, v10;
	[tilespmem:s9+$0xC960] =	vst v3;
	s9 =	smov.u32 s10  }
0x114: {  	v3 =	vld [tilespmem:s9+$0x120]  }
0x115: {  	v5 =	vadd.f32 v6, v5;
	v6 =	vld [tilespmem:s9+$0x6130];
	[tilespmem:s9+$0xC970] =	vst v4  }
0x116: {  	v4 =	vld [tilespmem:s9+$0x130]  }
0x117: {  	[tilespmem:s9+$0xC100] =	vst v5;
	v5 =	vadd.f32 v7, v8;
	v7 =	vld [tilespmem:s9+$0x6140]  }
0x118: {  	v8 =	vld [tilespmem:s9+$0x140]  }
0x119: {  	[tilespmem:s9+$0xC110] =	vst v5;
	v3 =	vadd.f32 v3, v9;
	v5 =	vld [tilespmem:s9+$0x6150]  }
0x11a: {  	v9 =	vld [tilespmem:s9+$0x150]  }
0x11b: {  	[tilespmem:s9+$0xC120] =	vst v3;
	v3 =	vadd.f32 v4, v6;
	v4 =	vld [tilespmem:s9+$0x6160]  }
0x11c: {  	v6 =	vld [tilespmem:s9+$0x160]  }
0x11d: {  	[tilespmem:s9+$0xC130] =	vst v3;
	v3 =	vadd.f32 v8, v7;
	v7 =	vld [tilespmem:s9+$0x6170]  }
0x11e: {  	v8 =	vld [tilespmem:s9+$0x170]  }
0x11f: {  	[tilespmem:s9+$0xC140] =	vst v3;
	v3 =	vadd.f32 v9, v5;
	v5 =	vld [tilespmem:s9+$0x6500]  }
0x120: {  	v9 =	vld [tilespmem:s9+$0x500]  }
0x121: {  	[tilespmem:s9+$0xC150] =	vst v3;
	v3 =	vadd.f32 v6, v4;
	v4 =	vld [tilespmem:s9+$0x6510]  }
0x122: {  	v6 =	vld [tilespmem:s9+$0x510]  }
0x123: {  	[tilespmem:s9+$0xC160] =	vst v3;
	v3 =	vadd.f32 v8, v7;
	v7 =	vld [tilespmem:s9+$0x6520]  }
0x124: {  	v8 =	vld [tilespmem:s9+$0x520]  }
0x125: {  	[tilespmem:s9+$0xC170] =	vst v3;
	v3 =	vadd.f32 v9, v5;
	v5 =	vld [tilespmem:s9+$0x6530]  }
0x126: {  	v9 =	vld [tilespmem:s9+$0x530]  }
0x127: {  	[tilespmem:s9+$0xC500] =	vst v3;
	v3 =	vadd.f32 v6, v4;
	v4 =	vld [tilespmem:s9+$0x6540]  }
0x128: {  	v6 =	vld [tilespmem:s9+$0x540]  }
0x129: {  	[tilespmem:s9+$0xC510] =	vst v3;
	v3 =	vadd.f32 v8, v7;
	v7 =	vld [tilespmem:s9+$0x6550]  }
0x12a: {  	v8 =	vld [tilespmem:s9+$0x550]  }
0x12b: {  	[tilespmem:s9+$0xC520] =	vst v3;
	v3 =	vadd.f32 v9, v5;
	v5 =	vld [tilespmem:s9+$0x6560]  }
0x12c: {  	v9 =	vld [tilespmem:s9+$0x560]  }
0x12d: {  	[tilespmem:s9+$0xC530] =	vst v3;
	v3 =	vadd.f32 v6, v4;
	v4 =	vld [tilespmem:s9+$0x6570]  }
0x12e: {  	v6 =	vld [tilespmem:s9+$0x570]  }
0x12f: {  	[tilespmem:s9+$0xC540] =	vst v3;
	v3 =	vadd.f32 v8, v7;
	v7 =	vld [tilespmem:s9+$0x6900]  }
0x130: {  	v8 =	vld [tilespmem:s9+$0x900]  }
0x131: {  	[tilespmem:s9+$0xC550] =	vst v3;
	v3 =	vadd.f32 v9, v5;
	v5 =	vld [tilespmem:s9+$0x6910]  }
0x132: {  	v9 =	vld [tilespmem:s9+$0x910]  }
0x133: {  	[tilespmem:s9+$0xC560] =	vst v3;
	v3 =	vadd.f32 v6, v4;
	v6 =	vld [tilespmem:s9+$0x6920]  }
0x134: {  	v10 =	vld [tilespmem:s9+$0x920]  }
0x135: {  	[tilespmem:s9+$0xC570] =	vst v3;
	v3 =	vadd.f32 v8, v7;
	v4 =	vld [tilespmem:s9+$0x6930]  }
.Ltmp3:
0x136: {  	v7 =	vld [tilespmem:s9+$0x930];
	(pc) =	sbr.rel @p1 .LBB2_5-.Ltmp3, $4  }
0x137: {  	[tilespmem:s9+$0xC900] =	vst v3;
	v8 =	vadd.f32 v9, v5;
	v3 =	vld [tilespmem:s9+$0x6940]  }
0x138: {  	v5 =	vld [tilespmem:s9+$0x940]  }
0x139: {  	s10 =	sshrl.u32 s17, $0x3;
	[tilespmem:s9+$0xC910] =	vst v8;
	v9 =	vadd.f32 v10, v6;
	v6 =	vld [tilespmem:s9+$0x6950]  }
0x13a: {  	s13 =	sadd.s32 $0x80, s13;
	s17 =	sadd.s32 $0x1, s17;
	s10 =	smul.u32 $0xC00, s10;
	v8 =	vld [tilespmem:s9+$0x950]  }
0x13b: {  	s13 =	sand.u32 $0x380, s13;
	v58 =	vld [tilespmem:s9+$0x6960];
	v4 =	vadd.f32 v7, v4  }
0x13c: {  	[tilespmem:s9+$0xC920] =	vst v9;
	v59 =	vld [tilespmem:s9+$0x960];
	s13 =	sor.u32 s13, s10  }
0x13d: {  	v10 =	vld [tilespmem:s13+$0x6970];
	[tilespmem:s9+$0xC930] =	vst v4;
	v3 =	vadd.f32 v5, v3  }
0x13e: {  	v4 =	vld [tilespmem:s13+$0x970]  }
0x13f: {  	v60 =	vld [tilespmem:s13+$0x6100];
	[tilespmem:s9+$0xC940] =	vst v3;
	v3 =	vadd.f32 v8, v6  }
0x140: {  	v61 =	vld [tilespmem:s13+$0x100]  }
0x141: {  	v62 =	vld [tilespmem:s13+$0x6110];
	[tilespmem:s9+$0xC950] =	vst v3;
	v3 =	vadd.f32 v59, v58  }
0x142: {  	v63 =	vld [tilespmem:s13+$0x110]  }
0x143: {  	v33 =	vld [tilespmem:s13+$0x6120];
	[tilespmem:s9+$0xC960] =	vst v3  }
0x144: {  	v3 =	vld [tilespmem:s13+$0x120]  }
0x145: {  	v11 =	vld [tilespmem:s13+$0x6130]  }
0x146: {  	v12 =	vld [tilespmem:s13+$0x130]  }
0x147: {  	v13 =	vld [tilespmem:s13+$0x6140]  }
0x148: {  	v14 =	vld [tilespmem:s13+$0x140]  }
0x149: {  	v15 =	vld [tilespmem:s13+$0x6150]  }
0x14a: {  	v16 =	vld [tilespmem:s13+$0x150]  }
0x14b: {  	v17 =	vld [tilespmem:s13+$0x6160]  }
0x14c: {  	v18 =	vld [tilespmem:s13+$0x160]  }
0x14d: {  	v19 =	vld [tilespmem:s13+$0x6170]  }
0x14e: {  	v20 =	vld [tilespmem:s13+$0x170]  }
0x14f: {  	v21 =	vld [tilespmem:s13+$0x6500]  }
0x150: {  	v22 =	vld [tilespmem:s13+$0x500]  }
0x151: {  	v23 =	vld [tilespmem:s13+$0x6510]  }
0x152: {  	v24 =	vld [tilespmem:s13+$0x510]  }
0x153: {  	v25 =	vld [tilespmem:s13+$0x6520]  }
0x154: {  	v26 =	vld [tilespmem:s13+$0x520]  }
0x155: {  	v27 =	vld [tilespmem:s13+$0x6530]  }
0x156: {  	v28 =	vld [tilespmem:s13+$0x530]  }
0x157: {  	v29 =	vld [tilespmem:s13+$0x6540]  }
0x158: {  	v30 =	vld [tilespmem:s13+$0x540]  }
0x159: {  	v31 =	vld [tilespmem:s13+$0x6550]  }
0x15a: {  	v4 =	vadd.f32 v4, v10;
	v34 =	vld [tilespmem:s13+$0x550]  }
0x15b: {  	v35 =	vld [tilespmem:s13+$0x6560];
	v5 =	vadd.f32 v61, v60  }
0x15c: {  	v37 =	vld [tilespmem:s13+$0x560];
	[tilespmem:s13+$0xC970] =	vst v4;
	v36 =	vadd.f32 v63, v62  }
0x15d: {  	v38 =	vld [tilespmem:s13+$0x6570];
	[tilespmem:s13+$0xC100] =	vst v5;
	v3 =	vadd.f32 v3, v33  }
0x15e: {  	v40 =	vld [tilespmem:s13+$0x570];
	[tilespmem:s13+$0xC110] =	vst v36;
	v39 =	vadd.f32 v12, v11  }
0x15f: {  	v41 =	vld [tilespmem:s13+$0x6900];
	[tilespmem:s13+$0xC120] =	vst v3;
	v3 =	vadd.f32 v14, v13  }
0x160: {  	v43 =	vld [tilespmem:s13+$0x900];
	v42 =	vadd.f32 v16, v15;
	[tilespmem:s13+$0xC130] =	vst v39  }
0x161: {  	v44 =	vld [tilespmem:s13+$0x6910];
	[tilespmem:s13+$0xC140] =	vst v3;
	v3 =	vadd.f32 v18, v17  }
0x162: {  	v46 =	vld [tilespmem:s13+$0x910];
	v45 =	vadd.f32 v20, v19;
	[tilespmem:s13+$0xC150] =	vst v42  }
0x163: {  	v47 =	vld [tilespmem:s13+$0x6920];
	[tilespmem:s13+$0xC160] =	vst v3;
	v3 =	vadd.f32 v22, v21  }
0x164: {  	v49 =	vld [tilespmem:s13+$0x920];
	v48 =	vadd.f32 v24, v23;
	[tilespmem:s13+$0xC170] =	vst v45  }
0x165: {  	v50 =	vld [tilespmem:s13+$0x6930];
	[tilespmem:s13+$0xC500] =	vst v3;
	v3 =	vadd.f32 v26, v25  }
0x166: {  	v52 =	vld [tilespmem:s13+$0x930];
	v51 =	vadd.f32 v28, v27;
	[tilespmem:s13+$0xC510] =	vst v48  }
0x167: {  	v53 =	vld [tilespmem:s13+$0x6940];
	[tilespmem:s13+$0xC520] =	vst v3;
	v3 =	vadd.f32 v30, v29  }
0x168: {  	v55 =	vld [tilespmem:s13+$0x940];
	v54 =	vadd.f32 v34, v31;
	[tilespmem:s13+$0xC530] =	vst v51  }
0x169: {  	v56 =	vld [tilespmem:s13+$0x6950];
	[tilespmem:s13+$0xC540] =	vst v3;
	v3 =	vadd.f32 v37, v35  }
0x16a: {  	v58 =	vld [tilespmem:s13+$0x950];
	v57 =	vadd.f32 v40, v38;
	[tilespmem:s13+$0xC550] =	vst v54  }
0x16b: {  	v59 =	vld [tilespmem:s13+$0x6960];
	[tilespmem:s13+$0xC560] =	vst v3;
	v3 =	vadd.f32 v43, v41  }
0x16c: {  	v61 =	vld [tilespmem:s13+$0x960];
	v60 =	vadd.f32 v46, v44;
	[tilespmem:s13+$0xC570] =	vst v57  }
0x16d: {  	[tilespmem:s13+$0xC900] =	vst v3;
	v3 =	vadd.f32 v49, v47  }
0x16e: {  	v62 =	vadd.f32 v52, v50;
	[tilespmem:s13+$0xC910] =	vst v60  }
0x16f: {  	p1 =	sne.s32 s20, $0x1F;
	[tilespmem:s13+$0xC920] =	vst v3;
	v3 =	vadd.f32 v55, v53  }
.Ltmp4:
0x170: {  	s8 =	sshrl.u32 s8, $0x3;
	v63 =	vadd.f32 v58, v56;
	[tilespmem:s13+$0xC930] =	vst v62;
	(pc) =	sbr.rel @p1 .LBB2_8-.Ltmp4, $4  }
0x171: {  	s8 =	smul.u32 $0x180, s8;
	[tilespmem:s13+$0xC940] =	vst v3;
	v3 =	vadd.f32 v61, v59  }
0x172: {  	[tilespmem:s13+$0xC950] =	vst v63  }
0x173: {  	s22 =	sadd.s32 s5, s8;
	[tilespmem:s13+$0xC960] =	vst v3  }
0x174: {  	[hbm4b:s22+s7] =	stream.linear.scatter [tilespmem:s28], [sflag:$0x5], $0x3000, $0x38;
	[tilespmem:$0x12100] =	vst v63  }
.Ltmp5:
0x175: {  	(pc) =	sbr.rel .LBB2_9-.Ltmp5, $4  }
0x176: {  	_ = 	snop  }
0x177: {  	_ =	swait.ge [sflag:s29], $0x3000  }
0x178: {  	[sflag:s29] =	ssyncset.done $0x0  }
0x179: {  	[sflag:s29] =	ssyncadd.s32 $0xFFFFD000  }
.LBB2_8:
0x17a: {  	s9 =	sadd.s32 s14, s21  }
0x17b: {  	s9 =	sshrl.u32 s9, $0x3  }
0x17c: {  	s9 =	smul.u32 $0x180, s9;
	_ =	sdelay $0x1  }
.Ltmp6:
0x17d: {  	s9 =	sadd.s32 s0, s9;
	(pc) =	sbr.rel @p0 .LBB2_10-.Ltmp6, $4  }
0x17e: {  	[tilespmem:s24], [sflag:$0x3] =	stream.linear.gather [hbm4b:s9+s7], $0x3000, $0x38;
	[tilespmem:$0x12100] =	vst v63  }
0x17f: {  	_ =	swait.ge [sflag:s29], $0x3000  }
0x180: {  	[sflag:s29] =	ssyncset.done $0x0  }
0x181: {  	[sflag:s29] =	ssyncadd.s32 $0xFFFFD000  }
.LBB2_9:
0x182: {  	_ =	swait.ge [sflag:s30], $0x3000  }
0x183: {  	[sflag:s30] =	ssyncset.done $0x0  }
0x184: {  	[sflag:s30] =	ssyncadd.s32 $0xFFFFD000  }
.LBB2_10:
0x185: {  	s9 =	simm.s32 $0x0  }
0x186: {  	s10 =	simm.s32 $0x0;
	s9 =	smul.u32 $0xC00, s9  }
0x187: {  	s10 =	sand.u32 $0x380, s10  }
0x188: {  	s9 =	sor.u32 s10, s9  }
0x189: {  	v3 =	vld [tilespmem:s9+$0x9970]  }
0x18a: {  	v4 =	vld [tilespmem:s9+$0x970]  }
0x18b: {  	v5 =	vld [tilespmem:s9+$0x9100]  }
0x18c: {  	v6 =	vld [tilespmem:s9+$0x100]  }
0x18d: {  	v7 =	vld [tilespmem:s9+$0x9110]  }
0x18e: {  	v8 =	vld [tilespmem:s9+$0x110]  }
0x18f: {  	v9 =	vld [tilespmem:s9+$0x9120]  }
0x190: {  	v10 =	vld [tilespmem:s9+$0x9130]  }
0x191: {  	v11 =	vld [tilespmem:s9+$0x920];
	v3 =	vadd.f32 v4, v3  }
0x192: {  	v4 =	vld [tilespmem:s9+$0x120]  }
0x193: {  	v5 =	vadd.f32 v6, v5;
	[tilespmem:s9+$0xF970] =	vst v3;
	v3 =	vld [tilespmem:s9+$0x130]  }
0x194: {  	v6 =	vld [tilespmem:s9+$0x9140]  }
0x195: {  	[tilespmem:s9+$0xF100] =	vst v5;
	v5 =	vadd.f32 v8, v7;
	v7 =	vld [tilespmem:s9+$0x140]  }
0x196: {  	v8 =	vld [tilespmem:s9+$0x150]  }
0x197: {  	[tilespmem:s9+$0xF110] =	vst v5;
	v5 =	vld [tilespmem:s9+$0x9150];
	v4 =	vadd.f32 v4, v9  }
0x198: {  	v9 =	vld [tilespmem:s9+$0x160];
	v3 =	vadd.f32 v3, v10  }
0x199: {  	[tilespmem:s9+$0xF120] =	vst v4;
	v4 =	vld [tilespmem:s9+$0x9160]  }
0x19a: {  	[tilespmem:s9+$0xF130] =	vst v3;
	v3 =	vadd.f32 v7, v6;
	v6 =	vld [tilespmem:s9+$0x9170]  }
0x19b: {  	v7 =	vld [tilespmem:s9+$0x170]  }
0x19c: {  	[tilespmem:s9+$0xF140] =	vst v3;
	v3 =	vadd.f32 v8, v5;
	v5 =	vld [tilespmem:s9+$0x9500]  }
0x19d: {  	v8 =	vld [tilespmem:s9+$0x500]  }
0x19e: {  	[tilespmem:s9+$0xF150] =	vst v3;
	v3 =	vadd.f32 v9, v4;
	v4 =	vld [tilespmem:s9+$0x9510]  }
0x19f: {  	v9 =	vld [tilespmem:s9+$0x510]  }
0x1a0: {  	[tilespmem:s9+$0xF160] =	vst v3;
	v3 =	vadd.f32 v7, v6;
	v6 =	vld [tilespmem:s9+$0x9520]  }
0x1a1: {  	v7 =	vld [tilespmem:s9+$0x520]  }
0x1a2: {  	[tilespmem:s9+$0xF170] =	vst v3;
	v3 =	vadd.f32 v8, v5;
	v5 =	vld [tilespmem:s9+$0x9530]  }
0x1a3: {  	v8 =	vld [tilespmem:s9+$0x530]  }
0x1a4: {  	[tilespmem:s9+$0xF500] =	vst v3;
	v3 =	vadd.f32 v9, v4;
	v4 =	vld [tilespmem:s9+$0x9540]  }
0x1a5: {  	v9 =	vld [tilespmem:s9+$0x540]  }
0x1a6: {  	[tilespmem:s9+$0xF510] =	vst v3;
	v3 =	vadd.f32 v7, v6;
	v6 =	vld [tilespmem:s9+$0x9550]  }
0x1a7: {  	v7 =	vld [tilespmem:s9+$0x550]  }
0x1a8: {  	[tilespmem:s9+$0xF520] =	vst v3;
	v3 =	vadd.f32 v8, v5;
	v5 =	vld [tilespmem:s9+$0x9560]  }
0x1a9: {  	v8 =	vld [tilespmem:s9+$0x560]  }
0x1aa: {  	[tilespmem:s9+$0xF530] =	vst v3;
	v3 =	vadd.f32 v9, v4;
	v4 =	vld [tilespmem:s9+$0x9570]  }
0x1ab: {  	v9 =	vld [tilespmem:s9+$0x570]  }
0x1ac: {  	[tilespmem:s9+$0xF540] =	vst v3;
	v3 =	vadd.f32 v7, v6;
	v6 =	vld [tilespmem:s9+$0x9900]  }
0x1ad: {  	v7 =	vld [tilespmem:s9+$0x900]  }
0x1ae: {  	v10 =	vld [tilespmem:s9+$0x910];
	[tilespmem:s9+$0xF550] =	vst v3;
	v3 =	vadd.f32 v8, v5  }
0x1af: {  	v8 =	vld [tilespmem:s9+$0x9910]  }
0x1b0: {  	[tilespmem:s9+$0xF560] =	vst v3;
	v3 =	vadd.f32 v9, v4;
	v9 =	vld [tilespmem:s9+$0x9920]  }
0x1b1: {  	v5 =	vld [tilespmem:s9+$0x9930]  }
0x1b2: {  	[tilespmem:s9+$0xF570] =	vst v3;
	v3 =	vadd.f32 v7, v6;
	v7 =	vld [tilespmem:s9+$0x930]  }
0x1b3: {  	v6 =	vld [tilespmem:s9+$0x940]  }
0x1b4: {  	v4 =	vadd.f32 v10, v8;
	[tilespmem:s9+$0xF900] =	vst v3;
	v3 =	vld [tilespmem:s9+$0x9940]  }
0x1b5: {  	s22 =	simm.s32 $0x0;
	v8 =	vld [tilespmem:s9+$0x950];
	v9 =	vadd.f32 v11, v9  }
0x1b6: {  	s17 =	simm.s32 $0x2;
	s13 =	simm.s32 $0x80;
	s10 =	smul.u32 $0xC00, s22;
	[tilespmem:s9+$0xF910] =	vst v4;
	v4 =	vld [tilespmem:s9+$0x9950]  }
.LBB2_11:
0x1b7: {  	p0 =	sne.s32 s17, $0x1F;
	s22 =	sand.u32 $0x380, s13;
	[tilespmem:s9+$0xF920] =	vst v9;
	v5 =	vadd.f32 v7, v5;
	v7 =	vld [tilespmem:s9+$0x9960]  }
0x1b8: {  	s10 =	sor.u32 s22, s10;
	v9 =	vld [tilespmem:s9+$0x960]  }
0x1b9: {  	v10 =	vld [tilespmem:s10+$0x9970];
	[tilespmem:s9+$0xF930] =	vst v5;
	v3 =	vadd.f32 v6, v3  }
0x1ba: {  	v5 =	vld [tilespmem:s10+$0x970]  }
0x1bb: {  	v6 =	vld [tilespmem:s10+$0x9100];
	[tilespmem:s9+$0xF940] =	vst v3;
	v3 =	vadd.f32 v8, v4  }
0x1bc: {  	v4 =	vld [tilespmem:s10+$0x100]  }
0x1bd: {  	v8 =	vld [tilespmem:s10+$0x9110];
	[tilespmem:s9+$0xF950] =	vst v3;
	v3 =	vadd.f32 v9, v7  }
0x1be: {  	v7 =	vld [tilespmem:s10+$0x110]  }
0x1bf: {  	v9 =	vld [tilespmem:s10+$0x9120];
	v5 =	vadd.f32 v5, v10;
	[tilespmem:s9+$0xF960] =	vst v3;
	s9 =	smov.u32 s10  }
0x1c0: {  	v3 =	vld [tilespmem:s9+$0x120]  }
0x1c1: {  	v4 =	vadd.f32 v4, v6;
	v6 =	vld [tilespmem:s9+$0x9130];
	[tilespmem:s9+$0xF970] =	vst v5  }
0x1c2: {  	v5 =	vld [tilespmem:s9+$0x130]  }
0x1c3: {  	[tilespmem:s9+$0xF100] =	vst v4;
	v4 =	vadd.f32 v7, v8;
	v7 =	vld [tilespmem:s9+$0x9140]  }
0x1c4: {  	v8 =	vld [tilespmem:s9+$0x140]  }
0x1c5: {  	[tilespmem:s9+$0xF110] =	vst v4;
	v3 =	vadd.f32 v3, v9;
	v4 =	vld [tilespmem:s9+$0x9150]  }
0x1c6: {  	v9 =	vld [tilespmem:s9+$0x150]  }
0x1c7: {  	[tilespmem:s9+$0xF120] =	vst v3;
	v3 =	vadd.f32 v5, v6;
	v5 =	vld [tilespmem:s9+$0x9160]  }
0x1c8: {  	v6 =	vld [tilespmem:s9+$0x160]  }
0x1c9: {  	[tilespmem:s9+$0xF130] =	vst v3;
	v3 =	vadd.f32 v8, v7;
	v7 =	vld [tilespmem:s9+$0x9170]  }
0x1ca: {  	v8 =	vld [tilespmem:s9+$0x170]  }
0x1cb: {  	[tilespmem:s9+$0xF140] =	vst v3;
	v3 =	vadd.f32 v9, v4;
	v4 =	vld [tilespmem:s9+$0x9500]  }
0x1cc: {  	v9 =	vld [tilespmem:s9+$0x500]  }
0x1cd: {  	[tilespmem:s9+$0xF150] =	vst v3;
	v3 =	vadd.f32 v6, v5;
	v5 =	vld [tilespmem:s9+$0x9510]  }
0x1ce: {  	v6 =	vld [tilespmem:s9+$0x510]  }
0x1cf: {  	[tilespmem:s9+$0xF160] =	vst v3;
	v3 =	vadd.f32 v8, v7;
	v7 =	vld [tilespmem:s9+$0x9520]  }
0x1d0: {  	v8 =	vld [tilespmem:s9+$0x520]  }
0x1d1: {  	[tilespmem:s9+$0xF170] =	vst v3;
	v3 =	vadd.f32 v9, v4;
	v4 =	vld [tilespmem:s9+$0x9530]  }
0x1d2: {  	v9 =	vld [tilespmem:s9+$0x530]  }
0x1d3: {  	[tilespmem:s9+$0xF500] =	vst v3;
	v3 =	vadd.f32 v6, v5;
	v5 =	vld [tilespmem:s9+$0x9540]  }
0x1d4: {  	v6 =	vld [tilespmem:s9+$0x540]  }
0x1d5: {  	[tilespmem:s9+$0xF510] =	vst v3;
	v3 =	vadd.f32 v8, v7;
	v7 =	vld [tilespmem:s9+$0x9550]  }
0x1d6: {  	v8 =	vld [tilespmem:s9+$0x550]  }
0x1d7: {  	[tilespmem:s9+$0xF520] =	vst v3;
	v3 =	vadd.f32 v9, v4;
	v4 =	vld [tilespmem:s9+$0x9560]  }
0x1d8: {  	v9 =	vld [tilespmem:s9+$0x560]  }
0x1d9: {  	[tilespmem:s9+$0xF530] =	vst v3;
	v3 =	vadd.f32 v6, v5;
	v5 =	vld [tilespmem:s9+$0x9570]  }
0x1da: {  	v6 =	vld [tilespmem:s9+$0x570]  }
0x1db: {  	[tilespmem:s9+$0xF540] =	vst v3;
	v3 =	vadd.f32 v8, v7;
	v7 =	vld [tilespmem:s9+$0x9900]  }
0x1dc: {  	v8 =	vld [tilespmem:s9+$0x900]  }
0x1dd: {  	[tilespmem:s9+$0xF550] =	vst v3;
	v3 =	vadd.f32 v9, v4;
	v4 =	vld [tilespmem:s9+$0x9910]  }
0x1de: {  	v9 =	vld [tilespmem:s9+$0x910]  }
0x1df: {  	[tilespmem:s9+$0xF560] =	vst v3;
	v3 =	vadd.f32 v6, v5;
	v10 =	vld [tilespmem:s9+$0x9920]  }
0x1e0: {  	v11 =	vld [tilespmem:s9+$0x920]  }
0x1e1: {  	[tilespmem:s9+$0xF570] =	vst v3;
	v3 =	vadd.f32 v8, v7;
	v5 =	vld [tilespmem:s9+$0x9930]  }
.Ltmp7:
0x1e2: {  	v7 =	vld [tilespmem:s9+$0x930];
	(pc) =	sbr.rel @p0 .LBB2_11-.Ltmp7, $4  }
0x1e3: {  	[tilespmem:s9+$0xF900] =	vst v3;
	v4 =	vadd.f32 v9, v4;
	v3 =	vld [tilespmem:s9+$0x9940]  }
0x1e4: {  	v6 =	vld [tilespmem:s9+$0x940]  }
0x1e5: {  	s10 =	sshrl.u32 s17, $0x3;
	[tilespmem:s9+$0xF910] =	vst v4;
	v9 =	vadd.f32 v11, v10;
	v4 =	vld [tilespmem:s9+$0x9950]  }
0x1e6: {  	s13 =	sadd.s32 $0x80, s13;
	s17 =	sadd.s32 $0x1, s17;
	s10 =	smul.u32 $0xC00, s10;
	v8 =	vld [tilespmem:s9+$0x950]  }
0x1e7: {  	s13 =	sand.u32 $0x380, s13;
	v59 =	vld [tilespmem:s9+$0x9960];
	v5 =	vadd.f32 v7, v5  }
0x1e8: {  	[tilespmem:s9+$0xF920] =	vst v9;
	v60 =	vld [tilespmem:s9+$0x960];
	s13 =	sor.u32 s13, s10  }
0x1e9: {  	v10 =	vld [tilespmem:s13+$0x9970];
	[tilespmem:s9+$0xF930] =	vst v5;
	v3 =	vadd.f32 v6, v3  }
0x1ea: {  	v5 =	vld [tilespmem:s13+$0x970]  }
0x1eb: {  	v61 =	vld [tilespmem:s13+$0x9100];
	[tilespmem:s9+$0xF940] =	vst v3;
	v3 =	vadd.f32 v8, v4  }
0x1ec: {  	v62 =	vld [tilespmem:s13+$0x100]  }
0x1ed: {  	v63 =	vld [tilespmem:s13+$0x9110];
	[tilespmem:s9+$0xF950] =	vst v3;
	v3 =	vadd.f32 v60, v59  }
0x1ee: {  	v33 =	vld [tilespmem:s13+$0x110]  }
0x1ef: {  	v34 =	vld [tilespmem:s13+$0x9120];
	[tilespmem:s9+$0xF960] =	vst v3  }
0x1f0: {  	v3 =	vld [tilespmem:s13+$0x120]  }
0x1f1: {  	v11 =	vld [tilespmem:s13+$0x9130]  }
0x1f2: {  	v12 =	vld [tilespmem:s13+$0x130]  }
0x1f3: {  	v13 =	vld [tilespmem:s13+$0x9140]  }
0x1f4: {  	v14 =	vld [tilespmem:s13+$0x140]  }
0x1f5: {  	v15 =	vld [tilespmem:s13+$0x9150]  }
0x1f6: {  	v16 =	vld [tilespmem:s13+$0x150]  }
0x1f7: {  	v17 =	vld [tilespmem:s13+$0x9160]  }
0x1f8: {  	v18 =	vld [tilespmem:s13+$0x160]  }
0x1f9: {  	v19 =	vld [tilespmem:s13+$0x9170]  }
0x1fa: {  	v20 =	vld [tilespmem:s13+$0x170]  }
0x1fb: {  	v21 =	vld [tilespmem:s13+$0x9500]  }
0x1fc: {  	v22 =	vld [tilespmem:s13+$0x500]  }
0x1fd: {  	v23 =	vld [tilespmem:s13+$0x9510]  }
0x1fe: {  	v24 =	vld [tilespmem:s13+$0x510]  }
0x1ff: {  	v25 =	vld [tilespmem:s13+$0x9520]  }
0x200: {  	v26 =	vld [tilespmem:s13+$0x520]  }
0x201: {  	v27 =	vld [tilespmem:s13+$0x9530]  }
0x202: {  	v28 =	vld [tilespmem:s13+$0x530]  }
0x203: {  	v29 =	vld [tilespmem:s13+$0x9540]  }
0x204: {  	v30 =	vld [tilespmem:s13+$0x540]  }
0x205: {  	v31 =	vld [tilespmem:s13+$0x9550]  }
0x206: {  	v5 =	vadd.f32 v5, v10;
	v35 =	vld [tilespmem:s13+$0x550]  }
0x207: {  	v36 =	vld [tilespmem:s13+$0x9560];
	v4 =	vadd.f32 v62, v61  }
0x208: {  	v38 =	vld [tilespmem:s13+$0x560];
	[tilespmem:s13+$0xF970] =	vst v5;
	v37 =	vadd.f32 v33, v63  }
0x209: {  	v39 =	vld [tilespmem:s13+$0x9570];
	[tilespmem:s13+$0xF100] =	vst v4;
	v3 =	vadd.f32 v3, v34  }
0x20a: {  	v41 =	vld [tilespmem:s13+$0x570];
	[tilespmem:s13+$0xF110] =	vst v37;
	v40 =	vadd.f32 v12, v11  }
0x20b: {  	v42 =	vld [tilespmem:s13+$0x9900];
	[tilespmem:s13+$0xF120] =	vst v3;
	v3 =	vadd.f32 v14, v13  }
0x20c: {  	v44 =	vld [tilespmem:s13+$0x900];
	v43 =	vadd.f32 v16, v15;
	[tilespmem:s13+$0xF130] =	vst v40  }
0x20d: {  	v45 =	vld [tilespmem:s13+$0x9910];
	[tilespmem:s13+$0xF140] =	vst v3;
	v3 =	vadd.f32 v18, v17  }
0x20e: {  	v47 =	vld [tilespmem:s13+$0x910];
	v46 =	vadd.f32 v20, v19;
	[tilespmem:s13+$0xF150] =	vst v43  }
0x20f: {  	v48 =	vld [tilespmem:s13+$0x9920];
	[tilespmem:s13+$0xF160] =	vst v3;
	v3 =	vadd.f32 v22, v21  }
0x210: {  	v50 =	vld [tilespmem:s13+$0x920];
	v49 =	vadd.f32 v24, v23;
	[tilespmem:s13+$0xF170] =	vst v46  }
0x211: {  	v51 =	vld [tilespmem:s13+$0x9930];
	[tilespmem:s13+$0xF500] =	vst v3;
	v3 =	vadd.f32 v26, v25  }
0x212: {  	v53 =	vld [tilespmem:s13+$0x930];
	v52 =	vadd.f32 v28, v27;
	[tilespmem:s13+$0xF510] =	vst v49  }
0x213: {  	v54 =	vld [tilespmem:s13+$0x9940];
	[tilespmem:s13+$0xF520] =	vst v3;
	v3 =	vadd.f32 v30, v29  }
0x214: {  	v56 =	vld [tilespmem:s13+$0x940];
	v55 =	vadd.f32 v35, v31;
	[tilespmem:s13+$0xF530] =	vst v52  }
0x215: {  	v57 =	vld [tilespmem:s13+$0x9950];
	[tilespmem:s13+$0xF540] =	vst v3;
	v3 =	vadd.f32 v38, v36  }
0x216: {  	v58 =	vld [tilespmem:s13+$0x950];
	v4 =	vadd.f32 v41, v39;
	[tilespmem:s13+$0xF550] =	vst v55  }
0x217: {  	v59 =	vld [tilespmem:s13+$0x9960];
	[tilespmem:s13+$0xF560] =	vst v3;
	v3 =	vadd.f32 v44, v42  }
0x218: {  	v61 =	vld [tilespmem:s13+$0x960];
	v60 =	vadd.f32 v47, v45;
	[tilespmem:s13+$0xF570] =	vst v4  }
0x219: {  	[tilespmem:s13+$0xF900] =	vst v3;
	v3 =	vadd.f32 v50, v48  }
0x21a: {  	v62 =	vadd.f32 v53, v51;
	[tilespmem:s13+$0xF910] =	vst v60  }
0x21b: {  	p0 =	seq.s32 s20, $0x1F;
	[tilespmem:s13+$0xF920] =	vst v3;
	v3 =	vadd.f32 v56, v54  }
.Ltmp8:
0x21c: {  	v63 =	vadd.f32 v58, v57;
	[tilespmem:s13+$0xF930] =	vst v62;
	(pc) =	sbr.rel @p0 .LBB2_14-.Ltmp8, $4  }
0x21d: {  	[tilespmem:s13+$0xF940] =	vst v3;
	v3 =	vadd.f32 v61, v59  }
0x21e: {  	[tilespmem:s13+$0xF950] =	vst v63  }
0x21f: {  	s8 =	sadd.s32 s8, s16;
	[tilespmem:s13+$0xF960] =	vst v3  }
0x220: {  	[hbm4b:s8+s7] =	stream.linear.scatter [tilespmem:s31], [sflag:$0x6], $0x3000, $0x38;
	[tilespmem:$0x12100] =	vst v63  }
0x221: {  	s8 =	sadd.s32 s15, s21  }
.Ltmp9:
0x222: {  	s8 =	sshrl.u32 s8, $0x3;
	(pc) =	sbr.rel .LBB2_4-.Ltmp9, $3  }
0x223: {  	s8 =	smul.u32 $0x180, s8;
	_ =	sdelay $0x1  }
0x224: {  	s20 =	sadd.s32 $0x1, s20;
	s8 =	sadd.s32 s0, s8  }
0x225: {  	[tilespmem:s25], [sflag:$0x4] =	stream.linear.gather [hbm4b:s8+s7], $0x3000, $0x38;
	[tilespmem:$0x12100] =	vst v63  }
.LBB2_15:
0x226: {  	_ =	sfence.sel $0x180000  }
0x227: {  	[bflag:$0x0] =	sbarrier.arrive $0xFFFF  }
0x228: {  	_ =	strace $0x90000047  }
0x229: {  	s0 =	stileid.u32;
	[bflag:$0x2] =	sbarrier.arrive $0xFFFF  }
0x22a: {  	p0 =	sne.s32 s0, $0x0;
	s0 =	rddreg [dreg:$0x6]  }
0x22b: {  	s0 =	sadd.s32 @!p0 $0x100000, s0  }
0x22c: {  	[sflag:s0] =	ssyncadd.tile.s32 @!p0 $0x1;
	_ =	shalt  }
.Lfunc_end2:
_tile_overlayer_lowered:
.L_overlay_start_2:
0x22d: {  	(tag) =	ssettag $0x2  }
0x22e: {  	s0 =	rddreg [dreg:$0x0];
	s2 =	stileid.u32  }
0x22f: {  	s1 =	rddreg [dreg:$0x1];
	p0 =	sne.s32 s2, $0x0  }
0x230: {  	s3 =	rddreg [dreg:$0x2];
	[bflag:$0x3] =	sbarrier.arrive $0xFFFF;
	s2 =	simm.s32 @!p0 $0x1C07  }
0x231: {  	[timem:s3], [sflag:s2] =	dma.local @!p0 [hbm:s0], s1  }
0x232: {  	s0 =	simm.s32 @!p0 $0x7  }
0x233: {  	_ =	swait.ge @!p0 [sflag:s0], s1  }
0x234: {  	s1 =	ssub.s32 @!p0 $0x0, s1;
	[sflag:s0] =	ssyncset.done @!p0 $0x0  }
0x235: {  	[sflag:s0] =	ssyncadd.s32 @!p0 s1  }
0x236: {  	[bflag:$0x3] =	sbarrier.arrive $0xFFFF  }
0x237: {  	_ =	shalt  }

</sc_bundles>
